<compile_context>
chip_gen: v7x
topology: tpu7x:2x2x1
jax: 0.10.2.dev20260603
libtpu: 0.0.44.dev20260713+nightly
codegen_flags: <defaults>
</compile_context>

<pallas_src>
import functools

import jax
import jax.numpy as jnp
from jax import lax
from jax.experimental import pallas as pl
from jax.experimental.pallas import tpu as pltpu
from jax.experimental.pallas import tpu_sc as plsc

_VOCAB = 1000000
_EMBED = 300
_BATCH = 1024
_SEQ = 512
_HIDDEN = 16

_NC, _NS = 2, 16
_NW = _NC * _NS
_RPW = _BATCH // _NW
_CHUNK = 128
_NCH = _SEQ // _CHUNK
_NG = _RPW * _NCH
_BAND = 1000
_NBAND = 128 // _HIDDEN
_PBLK = _BAND * _NBAND
_P2ROWS = _VOCAB // _NBAND


_TROWS = _BATCH * _SEQ // 128


def _proj_body(x_ref, w_ref, t_ref, o_ref, row_ref, colb_ref):
    acc = jnp.zeros((_BAND, 128), jnp.float32)
    for j in range(_NBAND):
        xj = x_ref[pl.ds(j * _BAND, _BAND), :]
        wj = w_ref[pl.ds(j * _EMBED, _EMBED), :]
        acc = acc + jnp.dot(xj.astype(jnp.bfloat16), wj,
                            preferred_element_type=jnp.float32)
    o_ref[:] = acc

    @pl.when(pl.program_id(0) == 0)
    def _():
        t = t_ref[:]
        blk = t // _PBLK
        band = (t // _BAND) % _NBAND
        r = t % _BAND
        row_ref[:] = blk * _BAND + r
        colb_ref[:] = band * _HIDDEN


_proj = pl.pallas_call(
    _proj_body,
    grid=(_VOCAB // _PBLK,),
    in_specs=[
        pl.BlockSpec((_PBLK, _EMBED), lambda i: (i, 0)),
        pl.BlockSpec((_NBAND * _EMBED, 128), lambda i: (0, 0)),
        pl.BlockSpec((_TROWS, 128), lambda i: (0, 0)),
    ],
    out_specs=[
        pl.BlockSpec((_BAND, 128), lambda i: (i, 0)),
        pl.BlockSpec((_TROWS, 128), lambda i: (0, 0)),
        pl.BlockSpec((_TROWS, 128), lambda i: (0, 0)),
    ],
    out_shape=[
        jax.ShapeDtypeStruct((_P2ROWS, 128), jnp.float32),
        jax.ShapeDtypeStruct((_TROWS, 128), jnp.int32),
        jax.ShapeDtypeStruct((_TROWS, 128), jnp.int32),
    ],
)


_NBUF = 4


def _bag_body(row_hbm, colb_hbm, p2_hbm, b1_hbm, w2b_hbm, b2_hbm, out_hbm,
              row_v, colb_v, rows0_v, rows1_v, rows2_v, rows3_v, tr_v,
              b1_v, w2b_v, b2_v, hsT_v, out_v,
              sem0, sem1, sem2, sem3):
    wid = lax.axis_index("s") * _NC + lax.axis_index("c")
    tpw = _RPW * _SEQ
    pltpu.sync_copy(row_hbm.at[pl.ds(wid * tpw, tpw)], row_v)
    pltpu.sync_copy(colb_hbm.at[pl.ds(wid * tpw, tpw)], colb_v)
    pltpu.sync_copy(b1_hbm, b1_v)
    pltpu.sync_copy(w2b_hbm, w2b_v)
    pltpu.sync_copy(b2_hbm, b2_v)

    sems = (sem0, sem1, sem2, sem3)
    bufs = (rows0_v, rows1_v, rows2_v, rows3_v)

    def gather(g, slot):
        idx = row_v.at[pl.ds(g * _CHUNK, _CHUNK)]
        return pltpu.async_copy(p2_hbm.at[idx], bufs[slot], sems[slot])

    def gather_wait(g, slot):
        idx = row_v.at[pl.ds(g * _CHUNK, _CHUNK)]
        pltpu.make_async_copy(p2_hbm.at[idx], bufs[slot], sems[slot]).wait()

    for s in range(_NBUF):
        gather(s, s)

    lane = lax.iota(jnp.int32, 16)

    def row_body(r, _):
        accT = (jnp.zeros((16,), jnp.float32),) * 16
        for c in range(_NCH):
            g = r * _NCH + c
            slot = c % _NBUF
            gather_wait(g, slot)

            @pl.when(g + _NBUF < _NG)
            def _():
                gather(g + _NBUF, slot)

            buf = bufs[slot]

            def group_body(gi, a):
                off = g * _CHUNK + gi * 16
                colb = colb_v[pl.ds(off, 16)]
                rowi = lane + gi * 16
                return tuple(
                    a[l] + plsc.load_gather(buf, [rowi, colb + l])
                    for l in range(16)
                )

            accT = lax.fori_loop(0, _CHUNK // 16, group_body, accT)

        for l in range(16):
            plsc.store_scatter(tr_v, [lane, jnp.full((16,), l, jnp.int32)],
                               accT[l])
        pooled = tr_v[0, :]
        for k in range(1, 16):
            pooled = pooled + tr_v[k, :]

        h = jnp.maximum(pooled + b1_v[pl.ds(0, 16)], 0.0)
        rc = jnp.bitwise_and(r, 15)
        plsc.store_scatter(hsT_v, [lane, lane * 0 + rc], h)

        @pl.when(rc == 15)
        def _():
            z = b2_v[pl.ds(0, 16)]
            for k in range(16):
                z = z + hsT_v[k, :] * w2b_v[k, pl.ds(0, 16)]
            sig = 1.0 / (1.0 + jnp.exp(-z))
            gidx = lax.shift_right_logical(r, 4)
            out_v[pl.ds(gidx * 16, 16)] = sig

        return 0

    lax.fori_loop(0, _RPW, row_body, 0)
    pltpu.sync_copy(out_v, out_hbm.at[pl.ds(wid * _RPW, _RPW)])


_bag = functools.partial(
    pl.kernel,
    out_type=jax.ShapeDtypeStruct((_BATCH,), jnp.float32),
    mesh=plsc.VectorSubcoreMesh(core_axis_name="c", subcore_axis_name="s"),
    scratch_types=[
        pltpu.VMEM((_RPW * _SEQ,), jnp.int32),
        pltpu.VMEM((_RPW * _SEQ,), jnp.int32),
        pltpu.VMEM((_CHUNK, 128), jnp.float32),
        pltpu.VMEM((_CHUNK, 128), jnp.float32),
        pltpu.VMEM((_CHUNK, 128), jnp.float32),
        pltpu.VMEM((_CHUNK, 128), jnp.float32),
        pltpu.VMEM((16, 16), jnp.float32),
        pltpu.VMEM((16,), jnp.float32),
        pltpu.VMEM((16, 16), jnp.float32),
        pltpu.VMEM((16,), jnp.float32),
        pltpu.VMEM((16, 16), jnp.float32),
        pltpu.VMEM((_RPW,), jnp.float32),
        pltpu.SemaphoreType.DMA,
        pltpu.SemaphoreType.DMA,
        pltpu.SemaphoreType.DMA,
        pltpu.SemaphoreType.DMA,
    ],
    compiler_params=pltpu.CompilerParams(needs_layout_passes=False),
)(_bag_body)


def kernel(tokens, emb_table, W1, b1, W2, b2):
    w1s = W1 * jnp.float32(1.0 / _SEQ)
    w1bd = jnp.zeros((_NBAND * _EMBED, 128), jnp.float32)
    for j in range(_NBAND):
        w1bd = w1bd.at[j * _EMBED:(j + 1) * _EMBED,
                       j * _HIDDEN:(j + 1) * _HIDDEN].set(w1s)
    w1bd = w1bd.astype(jnp.bfloat16)

    p2, grow, gcolb = _proj(emb_table, w1bd, tokens.reshape(-1, 128))
    w2b = jnp.broadcast_to(W2, (_HIDDEN, _HIDDEN))
    b2b = jnp.broadcast_to(b2, (_HIDDEN,))
    out_flat = _bag(grow.reshape(-1), gcolb.reshape(-1), p2, b1, w2b, b2b)
    return out_flat.reshape(_BATCH, 1)

# --- scband reference (transcript-rebuilt; emitter-appended) ---
"""Pipeline reference for scband-example-model-17849884082193 (READ-ONLY COPY).

The authoritative reference and input builder live on the scoring server;
editing this copy changes nothing except your own understanding.
"""

import jax, jax.numpy as jnp
import numpy as np

VOCAB = 1000000
EMBED = 300
BATCH = 1024
SEQ = 512
HIDDEN = 16

def setup_inputs(seed: int = 0) -> dict:
    key = jax.random.key(seed)
    k1, k2, k3, k4, k5, k6 = jax.random.split(key, 6)
    tokens = jax.random.randint(k1, (BATCH, SEQ), 0, VOCAB, dtype=jnp.int32)
    emb_table = jax.random.normal(k2, (VOCAB, EMBED), dtype=jnp.float32) * 0.05
    W1 = jax.random.normal(k3, (EMBED, HIDDEN), dtype=jnp.float32) * (1.0 / np.sqrt(EMBED))
    b1 = jnp.zeros((HIDDEN,), dtype=jnp.float32)
    W2 = jax.random.normal(k4, (HIDDEN, 1), dtype=jnp.float32) * (1.0 / np.sqrt(HIDDEN))
    b2 = jnp.zeros((1,), dtype=jnp.float32)
    return {"tokens": tokens, "emb_table": emb_table, "W1": W1, "b1": b1, "W2": W2, "b2": b2}

def reference(tokens, emb_table, W1, b1, W2, b2):
    # Embedding lookup (frozen pretrained word vectors)
    emb = jnp.take(emb_table, tokens, axis=0)  # [B, S, 300]
    # GlobalAveragePooling1D over the sequence axis
    pooled = jnp.mean(emb, axis=1)  # [B, 300]
    # Dense(16, relu)
    h = jax.nn.relu(pooled @ W1 + b1)  # [B, 16]
    # Dense(1, sigmoid)
    out = jax.nn.sigmoid(h @ W2 + b2)  # [B, 1]
    return out

if __name__ == "__main__":
    import jax
    _d = setup_inputs()
    print(jax.jit(kernel)(*tuple(_d.values())))

</pallas_src>

<mosaic_0001>
#map = affine_map<(d0, d1) -> (0)>
#map1 = affine_map<(d0, d1) -> (0, 0)>
module attributes {stable_mosaic.version = 14 : i64} {
  func.func @_bag_body(%arg0: i32, %arg1: i32, %arg2: memref<524288xi32, #tpu.memory_space<hbm>>, %arg3: memref<524288xi32, #tpu.memory_space<hbm>>, %arg4: memref<125000x128xf32, #tpu.memory_space<hbm>>, %arg5: memref<16xf32, #tpu.memory_space<hbm>>, %arg6: memref<16x16xf32, #tpu.memory_space<hbm>>, %arg7: memref<16xf32, #tpu.memory_space<hbm>>, %arg8: memref<1024xf32, #tpu.memory_space<hbm>>, %arg9: memref<16384xi32, #tpu.memory_space<vmem>>, %arg10: memref<16384xi32, #tpu.memory_space<vmem>>, %arg11: memref<128x128xf32, #tpu.memory_space<vmem>>, %arg12: memref<128x128xf32, #tpu.memory_space<vmem>>, %arg13: memref<128x128xf32, #tpu.memory_space<vmem>>, %arg14: memref<128x128xf32, #tpu.memory_space<vmem>>, %arg15: memref<16x16xf32, #tpu.memory_space<vmem>>, %arg16: memref<16xf32, #tpu.memory_space<vmem>>, %arg17: memref<16x16xf32, #tpu.memory_space<vmem>>, %arg18: memref<16xf32, #tpu.memory_space<vmem>>, %arg19: memref<16x16xf32, #tpu.memory_space<vmem>>, %arg20: memref<32xf32, #tpu.memory_space<vmem>>, %arg21: memref<!tpu.dma_semaphore, #tpu.memory_space<semaphore_mem>>, %arg22: memref<!tpu.dma_semaphore, #tpu.memory_space<semaphore_mem>>, %arg23: memref<!tpu.dma_semaphore, #tpu.memory_space<semaphore_mem>>, %arg24: memref<!tpu.dma_semaphore, #tpu.memory_space<semaphore_mem>>) attributes {dimension_semantics = [#tpu.dimension_semantics<core_parallel>, #tpu.dimension_semantics<subcore_parallel>], iteration_bounds = array<i64: 2, 16>, scalar_prefetch = 0 : i64, scratch_operands = 16 : i64, tpu.core_type = #tpu.core_type<sc_vector_subcore>, window_params = [{transform_indices = #map}, {transform_indices = #map}, {transform_indices = #map1}, {transform_indices = #map}, {transform_indices = #map1}, {transform_indices = #map}, {transform_indices = #map}]} {
    %mul3A = arith.constant 2 : i32
    %mul3A_0 = arith.muli %arg1, %mul3A : i32
    %add3A = arith.addi %mul3A_0, %arg0 : i32
    %mul3A_1 = arith.constant 16384 : i32
    %mul3A_2 = arith.muli %add3A, %mul3A_1 : i32
    "tpu.region"() ({
      %run_scoped3A = tpu.sem_alloc : memref<!tpu.dma_semaphore, #tpu.memory_space<semaphore_mem>>
      %dma_start3A_32 = tpu.memref_slice %arg2[%mul3A_2] : memref<524288xi32, #tpu.memory_space<hbm>> -> memref<16384xi32, #tpu.memory_space<hbm>>
      %dma_start3A_33 = tpu.memref_slice %arg2[%mul3A_2] : memref<524288xi32, #tpu.memory_space<hbm>> -> memref<16384xi32, #tpu.memory_space<hbm>>
      tpu.enqueue_dma source(%dma_start3A_33 : memref<16384xi32, #tpu.memory_space<hbm>>) target(%arg9 : memref<16384xi32, #tpu.memory_space<vmem>>) target_semaphore(%run_scoped3A : memref<!tpu.dma_semaphore, #tpu.memory_space<semaphore_mem>>)
      %dma_wait3A = tpu.memref_slice %arg2[%mul3A_2] : memref<524288xi32, #tpu.memory_space<hbm>> -> memref<16384xi32, #tpu.memory_space<hbm>>
      %dma_wait3A_34 = tpu.memref_slice %arg2[%mul3A_2] : memref<524288xi32, #tpu.memory_space<hbm>> -> memref<16384xi32, #tpu.memory_space<hbm>>
      tpu.wait_dma2 semaphore(%run_scoped3A : memref<!tpu.dma_semaphore, #tpu.memory_space<semaphore_mem>>) src(%dma_wait3A_34 : memref<16384xi32, #tpu.memory_space<hbm>>) dst(%arg9 : memref<16384xi32, #tpu.memory_space<vmem>>)
      tpu.yield
    }) : () -> ()
    %mul3A_3 = arith.constant 16384 : i32
    %mul3A_4 = arith.muli %add3A, %mul3A_3 : i32
    "tpu.region"() ({
      %run_scoped3A = tpu.sem_alloc : memref<!tpu.dma_semaphore, #tpu.memory_space<semaphore_mem>>
      %dma_start3A_32 = tpu.memref_slice %arg3[%mul3A_4] : memref<524288xi32, #tpu.memory_space<hbm>> -> memref<16384xi32, #tpu.memory_space<hbm>>
      %dma_start3A_33 = tpu.memref_slice %arg3[%mul3A_4] : memref<524288xi32, #tpu.memory_space<hbm>> -> memref<16384xi32, #tpu.memory_space<hbm>>
      tpu.enqueue_dma source(%dma_start3A_33 : memref<16384xi32, #tpu.memory_space<hbm>>) target(%arg10 : memref<16384xi32, #tpu.memory_space<vmem>>) target_semaphore(%run_scoped3A : memref<!tpu.dma_semaphore, #tpu.memory_space<semaphore_mem>>)
      %dma_wait3A = tpu.memref_slice %arg3[%mul3A_4] : memref<524288xi32, #tpu.memory_space<hbm>> -> memref<16384xi32, #tpu.memory_space<hbm>>
      %dma_wait3A_34 = tpu.memref_slice %arg3[%mul3A_4] : memref<524288xi32, #tpu.memory_space<hbm>> -> memref<16384xi32, #tpu.memory_space<hbm>>
      tpu.wait_dma2 semaphore(%run_scoped3A : memref<!tpu.dma_semaphore, #tpu.memory_space<semaphore_mem>>) src(%dma_wait3A_34 : memref<16384xi32, #tpu.memory_space<hbm>>) dst(%arg10 : memref<16384xi32, #tpu.memory_space<vmem>>)
      tpu.yield
    }) : () -> ()
    "tpu.region"() ({
      %run_scoped3A = tpu.sem_alloc : memref<!tpu.dma_semaphore, #tpu.memory_space<semaphore_mem>>
      tpu.enqueue_dma source(%arg5 : memref<16xf32, #tpu.memory_space<hbm>>) target(%arg16 : memref<16xf32, #tpu.memory_space<vmem>>) target_semaphore(%run_scoped3A : memref<!tpu.dma_semaphore, #tpu.memory_space<semaphore_mem>>)
      tpu.wait_dma2 semaphore(%run_scoped3A : memref<!tpu.dma_semaphore, #tpu.memory_space<semaphore_mem>>) src(%arg5 : memref<16xf32, #tpu.memory_space<hbm>>) dst(%arg16 : memref<16xf32, #tpu.memory_space<vmem>>)
      tpu.yield
    }) : () -> ()
    "tpu.region"() ({
      %run_scoped3A = tpu.sem_alloc : memref<!tpu.dma_semaphore, #tpu.memory_space<semaphore_mem>>
      tpu.enqueue_dma source(%arg6 : memref<16x16xf32, #tpu.memory_space<hbm>>) target(%arg17 : memref<16x16xf32, #tpu.memory_space<vmem>>) target_semaphore(%run_scoped3A : memref<!tpu.dma_semaphore, #tpu.memory_space<semaphore_mem>>)
      tpu.wait_dma2 semaphore(%run_scoped3A : memref<!tpu.dma_semaphore, #tpu.memory_space<semaphore_mem>>) src(%arg6 : memref<16x16xf32, #tpu.memory_space<hbm>>) dst(%arg17 : memref<16x16xf32, #tpu.memory_space<vmem>>)
      tpu.yield
    }) : () -> ()
    "tpu.region"() ({
      %run_scoped3A = tpu.sem_alloc : memref<!tpu.dma_semaphore, #tpu.memory_space<semaphore_mem>>
      tpu.enqueue_dma source(%arg7 : memref<16xf32, #tpu.memory_space<hbm>>) target(%arg18 : memref<16xf32, #tpu.memory_space<vmem>>) target_semaphore(%run_scoped3A : memref<!tpu.dma_semaphore, #tpu.memory_space<semaphore_mem>>)
      tpu.wait_dma2 semaphore(%run_scoped3A : memref<!tpu.dma_semaphore, #tpu.memory_space<semaphore_mem>>) src(%arg7 : memref<16xf32, #tpu.memory_space<hbm>>) dst(%arg18 : memref<16xf32, #tpu.memory_space<vmem>>)
      tpu.yield
    }) : () -> ()
    %dma_start3A = arith.constant 0 : i32
    %dma_start3A_5 = tpu.memref_slice %arg9[%dma_start3A] : memref<16384xi32, #tpu.memory_space<vmem>> -> memref<128xi32, #tpu.memory_space<vmem>>
    %dma_start3A_6 = arith.constant 0 : i32
    %dma_start3A_7 = arith.constant 0 : i32
    %dma_start3A_8 = tpu.memref_slice %arg4[%dma_start3A_6, %dma_start3A_7] : memref<125000x128xf32, #tpu.memory_space<hbm>> -> memref<125000x128xf32, #tpu.memory_space<hbm>>
    tpu.enqueue_indirect_dma source(%dma_start3A_8 : memref<125000x128xf32, #tpu.memory_space<hbm>>) target(%arg11 : memref<128x128xf32, #tpu.memory_space<vmem>>) offsets(%dma_start3A_5 : memref<128xi32, #tpu.memory_space<vmem>>) semaphore(%arg21 : memref<!tpu.dma_semaphore, #tpu.memory_space<semaphore_mem>>)
    %dma_start3A_9 = arith.constant 128 : i32
    %dma_start3A_10 = tpu.memref_slice %arg9[%dma_start3A_9] : memref<16384xi32, #tpu.memory_space<vmem>> -> memref<128xi32, #tpu.memory_space<vmem>>
    %dma_start3A_11 = arith.constant 0 : i32
    %dma_start3A_12 = arith.constant 0 : i32
    %dma_start3A_13 = tpu.memref_slice %arg4[%dma_start3A_11, %dma_start3A_12] : memref<125000x128xf32, #tpu.memory_space<hbm>> -> memref<125000x128xf32, #tpu.memory_space<hbm>>
    tpu.enqueue_indirect_dma source(%dma_start3A_13 : memref<125000x128xf32, #tpu.memory_space<hbm>>) target(%arg12 : memref<128x128xf32, #tpu.memory_space<vmem>>) offsets(%dma_start3A_10 : memref<128xi32, #tpu.memory_space<vmem>>) semaphore(%arg22 : memref<!tpu.dma_semaphore, #tpu.memory_space<semaphore_mem>>)
    %dma_start3A_14 = arith.constant 256 : i32
    %dma_start3A_15 = tpu.memref_slice %arg9[%dma_start3A_14] : memref<16384xi32, #tpu.memory_space<vmem>> -> memref<128xi32, #tpu.memory_space<vmem>>
    %dma_start3A_16 = arith.constant 0 : i32
    %dma_start3A_17 = arith.constant 0 : i32
    %dma_start3A_18 = tpu.memref_slice %arg4[%dma_start3A_16, %dma_start3A_17] : memref<125000x128xf32, #tpu.memory_space<hbm>> -> memref<125000x128xf32, #tpu.memory_space<hbm>>
    tpu.enqueue_indirect_dma source(%dma_start3A_18 : memref<125000x128xf32, #tpu.memory_space<hbm>>) target(%arg13 : memref<128x128xf32, #tpu.memory_space<vmem>>) offsets(%dma_start3A_15 : memref<128xi32, #tpu.memory_space<vmem>>) semaphore(%arg23 : memref<!tpu.dma_semaphore, #tpu.memory_space<semaphore_mem>>)
    %dma_start3A_19 = arith.constant 384 : i32
    %dma_start3A_20 = tpu.memref_slice %arg9[%dma_start3A_19] : memref<16384xi32, #tpu.memory_space<vmem>> -> memref<128xi32, #tpu.memory_space<vmem>>
    %dma_start3A_21 = arith.constant 0 : i32
    %dma_start3A_22 = arith.constant 0 : i32
    %dma_start3A_23 = tpu.memref_slice %arg4[%dma_start3A_21, %dma_start3A_22] : memref<125000x128xf32, #tpu.memory_space<hbm>> -> memref<125000x128xf32, #tpu.memory_space<hbm>>
    tpu.enqueue_indirect_dma source(%dma_start3A_23 : memref<125000x128xf32, #tpu.memory_space<hbm>>) target(%arg14 : memref<128x128xf32, #tpu.memory_space<vmem>>) offsets(%dma_start3A_20 : memref<128xi32, #tpu.memory_space<vmem>>) semaphore(%arg24 : memref<!tpu.dma_semaphore, #tpu.memory_space<semaphore_mem>>)
    %iota3A = tpu.iota {dimensions = array<i32: 0>} : vector<16xi32>
    %scan3A = arith.constant 0 : i32
    %scan3A_24 = arith.constant 0 : i32
    %scan3A_25 = arith.constant 32 : i32
    %scan3A_26 = arith.addi %scan3A_24, %scan3A_25 : i32
    %scan3A_27 = arith.constant 1 : i32
    %scan3A_28 = scf.for %scan3A_32 = %scan3A_24 to %scan3A_26 step %scan3A_27 iter_args(%scan3A_33 = %scan3A) -> (i32)  : i32 {
      %broadcast_in_dim3A = arith.constant 0.000000e+00 : f32
      %broadcast_in_dim3A_34 = vector.broadcast %broadcast_in_dim3A : f32 to vector<16xf32>
      %mul3A_35 = arith.constant 4 : i32
      %mul3A_36 = arith.muli %scan3A_32, %mul3A_35 : i32
      %add3A_37 = arith.constant 0 : i32
      %add3A_38 = arith.addi %mul3A_36, %add3A_37 : i32
      %mul3A_39 = arith.constant 128 : i32
      %mul3A_40 = arith.muli %add3A_38, %mul3A_39 : i32
      %dma_wait3A = tpu.memref_slice %arg9[%mul3A_40] : memref<16384xi32, #tpu.memory_space<vmem>> -> memref<128xi32, #tpu.memory_space<vmem>>
      %dma_wait3A_41 = arith.constant 0 : i32
      %dma_wait3A_42 = arith.constant 0 : i32
      %dma_wait3A_43 = tpu.memref_slice %arg4[%dma_wait3A_41, %dma_wait3A_42] : memref<125000x128xf32, #tpu.memory_space<hbm>> -> memref<125000x128xf32, #tpu.memory_space<hbm>>
      tpu.wait_indirect_dma semaphore(%arg21 : memref<!tpu.dma_semaphore, #tpu.memory_space<semaphore_mem>>) src(%dma_wait3A_43 : memref<125000x128xf32, #tpu.memory_space<hbm>>) dst(%arg11 : memref<128x128xf32, #tpu.memory_space<vmem>>)
      %add3A_44 = arith.constant 4 : i32
      %add3A_45 = arith.addi %add3A_38, %add3A_44 : i32
      %lt3A = arith.constant 128 : i32
      %lt3A_46 = arith.cmpi slt, %add3A_45, %lt3A : i32
      %convert_element_type3A = arith.extui %lt3A_46 : i1 to i32
      %cond3A = arith.constant 0 : i32
      %cond3A_47 = arith.cmpi ne, %convert_element_type3A, %cond3A : i32
      scf.if %cond3A_47 {
        %add3A_249 = arith.constant 4 : i32
        %add3A_250 = arith.addi %add3A_38, %add3A_249 : i32
        %mul3A_251 = arith.constant 128 : i32
        %mul3A_252 = arith.muli %add3A_250, %mul3A_251 : i32
        %dma_start3A_253 = tpu.memref_slice %arg9[%mul3A_252] : memref<16384xi32, #tpu.memory_space<vmem>> -> memref<128xi32, #tpu.memory_space<vmem>>
        %dma_start3A_254 = arith.constant 0 : i32
        %dma_start3A_255 = arith.constant 0 : i32
        %dma_start3A_256 = tpu.memref_slice %arg4[%dma_start3A_254, %dma_start3A_255] : memref<125000x128xf32, #tpu.memory_space<hbm>> -> memref<125000x128xf32, #tpu.memory_space<hbm>>
        tpu.enqueue_indirect_dma source(%dma_start3A_256 : memref<125000x128xf32, #tpu.memory_space<hbm>>) target(%arg11 : memref<128x128xf32, #tpu.memory_space<vmem>>) offsets(%dma_start3A_253 : memref<128xi32, #tpu.memory_space<vmem>>) semaphore(%arg21 : memref<!tpu.dma_semaphore, #tpu.memory_space<semaphore_mem>>)
      } else {
      }
      %scan3A_48 = arith.constant 0 : i32
      %scan3A_49 = arith.constant 8 : i32
      %scan3A_50 = arith.addi %scan3A_48, %scan3A_49 : i32
      %scan3A_51 = arith.constant 1 : i32
      %scan3A_52:16 = scf.for %scan3A_249 = %scan3A_48 to %scan3A_50 step %scan3A_51 iter_args(%scan3A_250 = %broadcast_in_dim3A_34, %scan3A_251 = %broadcast_in_dim3A_34, %scan3A_252 = %broadcast_in_dim3A_34, %scan3A_253 = %broadcast_in_dim3A_34, %scan3A_254 = %broadcast_in_dim3A_34, %scan3A_255 = %broadcast_in_dim3A_34, %scan3A_256 = %broadcast_in_dim3A_34, %scan3A_257 = %broadcast_in_dim3A_34, %scan3A_258 = %broadcast_in_dim3A_34, %scan3A_259 = %broadcast_in_dim3A_34, %scan3A_260 = %broadcast_in_dim3A_34, %scan3A_261 = %broadcast_in_dim3A_34, %scan3A_262 = %broadcast_in_dim3A_34, %scan3A_263 = %broadcast_in_dim3A_34, %scan3A_264 = %broadcast_in_dim3A_34, %scan3A_265 = %broadcast_in_dim3A_34) -> (vector<16xf32>, vector<16xf32>, vector<16xf32>, vector<16xf32>, vector<16xf32>, vector<16xf32>, vector<16xf32>, vector<16xf32>, vector<16xf32>, vector<16xf32>, vector<16xf32>, vector<16xf32>, vector<16xf32>, vector<16xf32>, vector<16xf32>, vector<16xf32>)  : i32 {
        %mul3A_266 = arith.constant 128 : i32
        %mul3A_267 = arith.muli %add3A_38, %mul3A_266 : i32
        %mul3A_268 = arith.constant 16 : i32
        %mul3A_269 = arith.muli %scan3A_249, %mul3A_268 : i32
        %add3A_270 = arith.addi %mul3A_267, %mul3A_269 : i32
        %get3A_271 = arith.index_cast %add3A_270 : i32 to index
        %get3A_272 = tpu.vector_load %arg10[%get3A_271] {strides = array<i32>} : memref<16384xi32, #tpu.memory_space<vmem>>, vector<16xi32>,
        %mul3A_273 = arith.constant 16 : i32
        %mul3A_274 = arith.muli %scan3A_249, %mul3A_273 : i32
        %add3A_275 = vector.broadcast %mul3A_274 : i32 to vector<16xi32>
        %add3A_276 = arith.addi %iota3A, %add3A_275 : vector<16xi32>
        %add3A_277 = arith.constant 0 : i32
        %add3A_278 = vector.broadcast %add3A_277 : i32 to vector<16xi32>
        %add3A_279 = arith.addi %get3A_272, %add3A_278 : vector<16xi32>
        %gather3A = tpu.vector_load_idx %arg11[%add3A_276, %add3A_279] : memref<128x128xf32, #tpu.memory_space<vmem>>[vector<16xi32>, vector<16xi32>], vector<16xf32>,
        %add3A_280 = arith.addf %scan3A_250, %gather3A : vector<16xf32>
        %add3A_281 = arith.constant 1 : i32
        %add3A_282 = vector.broadcast %add3A_281 : i32 to vector<16xi32>
        %add3A_283 = arith.addi %get3A_272, %add3A_282 : vector<16xi32>
        %gather3A_284 = tpu.vector_load_idx %arg11[%add3A_276, %add3A_283] : memref<128x128xf32, #tpu.memory_space<vmem>>[vector<16xi32>, vector<16xi32>], vector<16xf32>,
        %add3A_285 = arith.addf %scan3A_251, %gather3A_284 : vector<16xf32>
        %add3A_286 = arith.constant 2 : i32
        %add3A_287 = vector.broadcast %add3A_286 : i32 to vector<16xi32>
        %add3A_288 = arith.addi %get3A_272, %add3A_287 : vector<16xi32>
        %gather3A_289 = tpu.vector_load_idx %arg11[%add3A_276, %add3A_288] : memref<128x128xf32, #tpu.memory_space<vmem>>[vector<16xi32>, vector<16xi32>], vector<16xf32>,
        %add3A_290 = arith.addf %scan3A_252, %gather3A_289 : vector<16xf32>
        %add3A_291 = arith.constant 3 : i32
        %add3A_292 = vector.broadcast %add3A_291 : i32 to vector<16xi32>
        %add3A_293 = arith.addi %get3A_272, %add3A_292 : vector<16xi32>
        %gather3A_294 = tpu.vector_load_idx %arg11[%add3A_276, %add3A_293] : memref<128x128xf32, #tpu.memory_space<vmem>>[vector<16xi32>, vector<16xi32>], vector<16xf32>,
        %add3A_295 = arith.addf %scan3A_253, %gather3A_294 : vector<16xf32>
        %add3A_296 = arith.constant 4 : i32
        %add3A_297 = vector.broadcast %add3A_296 : i32 to vector<16xi32>
        %add3A_298 = arith.addi %get3A_272, %add3A_297 : vector<16xi32>
        %gather3A_299 = tpu.vector_load_idx %arg11[%add3A_276, %add3A_298] : memref<128x128xf32, #tpu.memory_space<vmem>>[vector<16xi32>, vector<16xi32>], vector<16xf32>,
        %add3A_300 = arith.addf %scan3A_254, %gather3A_299 : vector<16xf32>
        %add3A_301 = arith.constant 5 : i32
        %add3A_302 = vector.broadcast %add3A_301 : i32 to vector<16xi32>
        %add3A_303 = arith.addi %get3A_272, %add3A_302 : vector<16xi32>
        %gather3A_304 = tpu.vector_load_idx %arg11[%add3A_276, %add3A_303] : memref<128x128xf32, #tpu.memory_space<vmem>>[vector<16xi32>, vector<16xi32>], vector<16xf32>,
        %add3A_305 = arith.addf %scan3A_255, %gather3A_304 : vector<16xf32>
        %add3A_306 = arith.constant 6 : i32
        %add3A_307 = vector.broadcast %add3A_306 : i32 to vector<16xi32>
        %add3A_308 = arith.addi %get3A_272, %add3A_307 : vector<16xi32>
        %gather3A_309 = tpu.vector_load_idx %arg11[%add3A_276, %add3A_308] : memref<128x128xf32, #tpu.memory_space<vmem>>[vector<16xi32>, vector<16xi32>], vector<16xf32>,
        %add3A_310 = arith.addf %scan3A_256, %gather3A_309 : vector<16xf32>
        %add3A_311 = arith.constant 7 : i32
        %add3A_312 = vector.broadcast %add3A_311 : i32 to vector<16xi32>
        %add3A_313 = arith.addi %get3A_272, %add3A_312 : vector<16xi32>
        %gather3A_314 = tpu.vector_load_idx %arg11[%add3A_276, %add3A_313] : memref<128x128xf32, #tpu.memory_space<vmem>>[vector<16xi32>, vector<16xi32>], vector<16xf32>,
        %add3A_315 = arith.addf %scan3A_257, %gather3A_314 : vector<16xf32>
        %add3A_316 = arith.constant 8 : i32
        %add3A_317 = vector.broadcast %add3A_316 : i32 to vector<16xi32>
        %add3A_318 = arith.addi %get3A_272, %add3A_317 : vector<16xi32>
        %gather3A_319 = tpu.vector_load_idx %arg11[%add3A_276, %add3A_318] : memref<128x128xf32, #tpu.memory_space<vmem>>[vector<16xi32>, vector<16xi32>], vector<16xf32>,
        %add3A_320 = arith.addf %scan3A_258, %gather3A_319 : vector<16xf32>
        %add3A_321 = arith.constant 9 : i32
        %add3A_322 = vector.broadcast %add3A_321 : i32 to vector<16xi32>
        %add3A_323 = arith.addi %get3A_272, %add3A_322 : vector<16xi32>
        %gather3A_324 = tpu.vector_load_idx %arg11[%add3A_276, %add3A_323] : memref<128x128xf32, #tpu.memory_space<vmem>>[vector<16xi32>, vector<16xi32>], vector<16xf32>,
        %add3A_325 = arith.addf %scan3A_259, %gather3A_324 : vector<16xf32>
        %add3A_326 = arith.constant 10 : i32
        %add3A_327 = vector.broadcast %add3A_326 : i32 to vector<16xi32>
        %add3A_328 = arith.addi %get3A_272, %add3A_327 : vector<16xi32>
        %gather3A_329 = tpu.vector_load_idx %arg11[%add3A_276, %add3A_328] : memref<128x128xf32, #tpu.memory_space<vmem>>[vector<16xi32>, vector<16xi32>], vector<16xf32>,
        %add3A_330 = arith.addf %scan3A_260, %gather3A_329 : vector<16xf32>
        %add3A_331 = arith.constant 11 : i32
        %add3A_332 = vector.broadcast %add3A_331 : i32 to vector<16xi32>
        %add3A_333 = arith.addi %get3A_272, %add3A_332 : vector<16xi32>
        %gather3A_334 = tpu.vector_load_idx %arg11[%add3A_276, %add3A_333] : memref<128x128xf32, #tpu.memory_space<vmem>>[vector<16xi32>, vector<16xi32>], vector<16xf32>,
        %add3A_335 = arith.addf %scan3A_261, %gather3A_334 : vector<16xf32>
        %add3A_336 = arith.constant 12 : i32
        %add3A_337 = vector.broadcast %add3A_336 : i32 to vector<16xi32>
        %add3A_338 = arith.addi %get3A_272, %add3A_337 : vector<16xi32>
        %gather3A_339 = tpu.vector_load_idx %arg11[%add3A_276, %add3A_338] : memref<128x128xf32, #tpu.memory_space<vmem>>[vector<16xi32>, vector<16xi32>], vector<16xf32>,
        %add3A_340 = arith.addf %scan3A_262, %gather3A_339 : vector<16xf32>
        %add3A_341 = arith.constant 13 : i32
        %add3A_342 = vector.broadcast %add3A_341 : i32 to vector<16xi32>
        %add3A_343 = arith.addi %get3A_272, %add3A_342 : vector<16xi32>
        %gather3A_344 = tpu.vector_load_idx %arg11[%add3A_276, %add3A_343] : memref<128x128xf32, #tpu.memory_space<vmem>>[vector<16xi32>, vector<16xi32>], vector<16xf32>,
        %add3A_345 = arith.addf %scan3A_263, %gather3A_344 : vector<16xf32>
        %add3A_346 = arith.constant 14 : i32
        %add3A_347 = vector.broadcast %add3A_346 : i32 to vector<16xi32>
        %add3A_348 = arith.addi %get3A_272, %add3A_347 : vector<16xi32>
        %gather3A_349 = tpu.vector_load_idx %arg11[%add3A_276, %add3A_348] : memref<128x128xf32, #tpu.memory_space<vmem>>[vector<16xi32>, vector<16xi32>], vector<16xf32>,
        %add3A_350 = arith.addf %scan3A_264, %gather3A_349 : vector<16xf32>
        %add3A_351 = arith.constant 15 : i32
        %add3A_352 = vector.broadcast %add3A_351 : i32 to vector<16xi32>
        %add3A_353 = arith.addi %get3A_272, %add3A_352 : vector<16xi32>
        %gather3A_354 = tpu.vector_load_idx %arg11[%add3A_276, %add3A_353] : memref<128x128xf32, #tpu.memory_space<vmem>>[vector<16xi32>, vector<16xi32>], vector<16xf32>,
        %add3A_355 = arith.addf %scan3A_265, %gather3A_354 : vector<16xf32>
        scf.yield %add3A_280, %add3A_285, %add3A_290, %add3A_295, %add3A_300, %add3A_305, %add3A_310, %add3A_315, %add3A_320, %add3A_325, %add3A_330, %add3A_335, %add3A_340, %add3A_345, %add3A_350, %add3A_355 : vector<16xf32>, vector<16xf32>, vector<16xf32>, vector<16xf32>, vector<16xf32>, vector<16xf32>, vector<16xf32>, vector<16xf32>, vector<16xf32>, vector<16xf32>, vector<16xf32>, vector<16xf32>, vector<16xf32>, vector<16xf32>, vector<16xf32>, vector<16xf32>
      }
      %scan3A_53 = arith.constant 8 : i32
      %mul3A_54 = arith.constant 4 : i32
      %mul3A_55 = arith.muli %scan3A_32, %mul3A_54 : i32
      %add3A_56 = arith.constant 1 : i32
      %add3A_57 = arith.addi %mul3A_55, %add3A_56 : i32
      %mul3A_58 = arith.constant 128 : i32
      %mul3A_59 = arith.muli %add3A_57, %mul3A_58 : i32
      %dma_wait3A_60 = tpu.memref_slice %arg9[%mul3A_59] : memref<16384xi32, #tpu.memory_space<vmem>> -> memref<128xi32, #tpu.memory_space<vmem>>
      %dma_wait3A_61 = arith.constant 0 : i32
      %dma_wait3A_62 = arith.constant 0 : i32
      %dma_wait3A_63 = tpu.memref_slice %arg4[%dma_wait3A_61, %dma_wait3A_62] : memref<125000x128xf32, #tpu.memory_space<hbm>> -> memref<125000x128xf32, #tpu.memory_space<hbm>>
      tpu.wait_indirect_dma semaphore(%arg22 : memref<!tpu.dma_semaphore, #tpu.memory_space<semaphore_mem>>) src(%dma_wait3A_63 : memref<125000x128xf32, #tpu.memory_space<hbm>>) dst(%arg12 : memref<128x128xf32, #tpu.memory_space<vmem>>)
      %add3A_64 = arith.constant 4 : i32
      %add3A_65 = arith.addi %add3A_57, %add3A_64 : i32
      %lt3A_66 = arith.constant 128 : i32
      %lt3A_67 = arith.cmpi slt, %add3A_65, %lt3A_66 : i32
      %convert_element_type3A_68 = arith.extui %lt3A_67 : i1 to i32
      %cond3A_69 = arith.constant 0 : i32
      %cond3A_70 = arith.cmpi ne, %convert_element_type3A_68, %cond3A_69 : i32
      scf.if %cond3A_70 {
        %add3A_249 = arith.constant 4 : i32
        %add3A_250 = arith.addi %add3A_57, %add3A_249 : i32
        %mul3A_251 = arith.constant 128 : i32
        %mul3A_252 = arith.muli %add3A_250, %mul3A_251 : i32
        %dma_start3A_253 = tpu.memref_slice %arg9[%mul3A_252] : memref<16384xi32, #tpu.memory_space<vmem>> -> memref<128xi32, #tpu.memory_space<vmem>>
        %dma_start3A_254 = arith.constant 0 : i32
        %dma_start3A_255 = arith.constant 0 : i32
        %dma_start3A_256 = tpu.memref_slice %arg4[%dma_start3A_254, %dma_start3A_255] : memref<125000x128xf32, #tpu.memory_space<hbm>> -> memref<125000x128xf32, #tpu.memory_space<hbm>>
        tpu.enqueue_indirect_dma source(%dma_start3A_256 : memref<125000x128xf32, #tpu.memory_space<hbm>>) target(%arg12 : memref<128x128xf32, #tpu.memory_space<vmem>>) offsets(%dma_start3A_253 : memref<128xi32, #tpu.memory_space<vmem>>) semaphore(%arg22 : memref<!tpu.dma_semaphore, #tpu.memory_space<semaphore_mem>>)
      } else {
      }
      %scan3A_71 = arith.constant 0 : i32
      %scan3A_72 = arith.constant 8 : i32
      %scan3A_73 = arith.addi %scan3A_71, %scan3A_72 : i32
      %scan3A_74 = arith.constant 1 : i32
      %scan3A_75:16 = scf.for %scan3A_249 = %scan3A_71 to %scan3A_73 step %scan3A_74 iter_args(%scan3A_250 = %scan3A_52#0, %scan3A_251 = %scan3A_52#1, %scan3A_252 = %scan3A_52#2, %scan3A_253 = %scan3A_52#3, %scan3A_254 = %scan3A_52#4, %scan3A_255 = %scan3A_52#5, %scan3A_256 = %scan3A_52#6, %scan3A_257 = %scan3A_52#7, %scan3A_258 = %scan3A_52#8, %scan3A_259 = %scan3A_52#9, %scan3A_260 = %scan3A_52#10, %scan3A_261 = %scan3A_52#11, %scan3A_262 = %scan3A_52#12, %scan3A_263 = %scan3A_52#13, %scan3A_264 = %scan3A_52#14, %scan3A_265 = %scan3A_52#15) -> (vector<16xf32>, vector<16xf32>, vector<16xf32>, vector<16xf32>, vector<16xf32>, vector<16xf32>, vector<16xf32>, vector<16xf32>, vector<16xf32>, vector<16xf32>, vector<16xf32>, vector<16xf32>, vector<16xf32>, vector<16xf32>, vector<16xf32>, vector<16xf32>)  : i32 {
        %mul3A_266 = arith.constant 128 : i32
        %mul3A_267 = arith.muli %add3A_57, %mul3A_266 : i32
        %mul3A_268 = arith.constant 16 : i32
        %mul3A_269 = arith.muli %scan3A_249, %mul3A_268 : i32
        %add3A_270 = arith.addi %mul3A_267, %mul3A_269 : i32
        %get3A_271 = arith.index_cast %add3A_270 : i32 to index
        %get3A_272 = tpu.vector_load %arg10[%get3A_271] {strides = array<i32>} : memref<16384xi32, #tpu.memory_space<vmem>>, vector<16xi32>,
        %mul3A_273 = arith.constant 16 : i32
        %mul3A_274 = arith.muli %scan3A_249, %mul3A_273 : i32
        %add3A_275 = vector.broadcast %mul3A_274 : i32 to vector<16xi32>
        %add3A_276 = arith.addi %iota3A, %add3A_275 : vector<16xi32>
        %add3A_277 = arith.constant 0 : i32
        %add3A_278 = vector.broadcast %add3A_277 : i32 to vector<16xi32>
        %add3A_279 = arith.addi %get3A_272, %add3A_278 : vector<16xi32>
        %gather3A = tpu.vector_load_idx %arg12[%add3A_276, %add3A_279] : memref<128x128xf32, #tpu.memory_space<vmem>>[vector<16xi32>, vector<16xi32>], vector<16xf32>,
        %add3A_280 = arith.addf %scan3A_250, %gather3A : vector<16xf32>
        %add3A_281 = arith.constant 1 : i32
        %add3A_282 = vector.broadcast %add3A_281 : i32 to vector<16xi32>
        %add3A_283 = arith.addi %get3A_272, %add3A_282 : vector<16xi32>
        %gather3A_284 = tpu.vector_load_idx %arg12[%add3A_276, %add3A_283] : memref<128x128xf32, #tpu.memory_space<vmem>>[vector<16xi32>, vector<16xi32>], vector<16xf32>,
        %add3A_285 = arith.addf %scan3A_251, %gather3A_284 : vector<16xf32>
        %add3A_286 = arith.constant 2 : i32
        %add3A_287 = vector.broadcast %add3A_286 : i32 to vector<16xi32>
        %add3A_288 = arith.addi %get3A_272, %add3A_287 : vector<16xi32>
        %gather3A_289 = tpu.vector_load_idx %arg12[%add3A_276, %add3A_288] : memref<128x128xf32, #tpu.memory_space<vmem>>[vector<16xi32>, vector<16xi32>], vector<16xf32>,
        %add3A_290 = arith.addf %scan3A_252, %gather3A_289 : vector<16xf32>
        %add3A_291 = arith.constant 3 : i32
        %add3A_292 = vector.broadcast %add3A_291 : i32 to vector<16xi32>
        %add3A_293 = arith.addi %get3A_272, %add3A_292 : vector<16xi32>
        %gather3A_294 = tpu.vector_load_idx %arg12[%add3A_276, %add3A_293] : memref<128x128xf32, #tpu.memory_space<vmem>>[vector<16xi32>, vector<16xi32>], vector<16xf32>,
        %add3A_295 = arith.addf %scan3A_253, %gather3A_294 : vector<16xf32>
        %add3A_296 = arith.constant 4 : i32
        %add3A_297 = vector.broadcast %add3A_296 : i32 to vector<16xi32>
        %add3A_298 = arith.addi %get3A_272, %add3A_297 : vector<16xi32>
        %gather3A_299 = tpu.vector_load_idx %arg12[%add3A_276, %add3A_298] : memref<128x128xf32, #tpu.memory_space<vmem>>[vector<16xi32>, vector<16xi32>], vector<16xf32>,
        %add3A_300 = arith.addf %scan3A_254, %gather3A_299 : vector<16xf32>
        %add3A_301 = arith.constant 5 : i32
        %add3A_302 = vector.broadcast %add3A_301 : i32 to vector<16xi32>
        %add3A_303 = arith.addi %get3A_272, %add3A_302 : vector<16xi32>
        %gather3A_304 = tpu.vector_load_idx %arg12[%add3A_276, %add3A_303] : memref<128x128xf32, #tpu.memory_space<vmem>>[vector<16xi32>, vector<16xi32>], vector<16xf32>,
        %add3A_305 = arith.addf %scan3A_255, %gather3A_304 : vector<16xf32>
        %add3A_306 = arith.constant 6 : i32
        %add3A_307 = vector.broadcast %add3A_306 : i32 to vector<16xi32>
        %add3A_308 = arith.addi %get3A_272, %add3A_307 : vector<16xi32>
        %gather3A_309 = tpu.vector_load_idx %arg12[%add3A_276, %add3A_308] : memref<128x128xf32, #tpu.memory_space<vmem>>[vector<16xi32>, vector<16xi32>], vector<16xf32>,
        %add3A_310 = arith.addf %scan3A_256, %gather3A_309 : vector<16xf32>
        %add3A_311 = arith.constant 7 : i32
        %add3A_312 = vector.broadcast %add3A_311 : i32 to vector<16xi32>
        %add3A_313 = arith.addi %get3A_272, %add3A_312 : vector<16xi32>
        %gather3A_314 = tpu.vector_load_idx %arg12[%add3A_276, %add3A_313] : memref<128x128xf32, #tpu.memory_space<vmem>>[vector<16xi32>, vector<16xi32>], vector<16xf32>,
        %add3A_315 = arith.addf %scan3A_257, %gather3A_314 : vector<16xf32>
        %add3A_316 = arith.constant 8 : i32
        %add3A_317 = vector.broadcast %add3A_316 : i32 to vector<16xi32>
        %add3A_318 = arith.addi %get3A_272, %add3A_317 : vector<16xi32>
        %gather3A_319 = tpu.vector_load_idx %arg12[%add3A_276, %add3A_318] : memref<128x128xf32, #tpu.memory_space<vmem>>[vector<16xi32>, vector<16xi32>], vector<16xf32>,
        %add3A_320 = arith.addf %scan3A_258, %gather3A_319 : vector<16xf32>
        %add3A_321 = arith.constant 9 : i32
        %add3A_322 = vector.broadcast %add3A_321 : i32 to vector<16xi32>
        %add3A_323 = arith.addi %get3A_272, %add3A_322 : vector<16xi32>
        %gather3A_324 = tpu.vector_load_idx %arg12[%add3A_276, %add3A_323] : memref<128x128xf32, #tpu.memory_space<vmem>>[vector<16xi32>, vector<16xi32>], vector<16xf32>,
        %add3A_325 = arith.addf %scan3A_259, %gather3A_324 : vector<16xf32>
        %add3A_326 = arith.constant 10 : i32
        %add3A_327 = vector.broadcast %add3A_326 : i32 to vector<16xi32>
        %add3A_328 = arith.addi %get3A_272, %add3A_327 : vector<16xi32>
        %gather3A_329 = tpu.vector_load_idx %arg12[%add3A_276, %add3A_328] : memref<128x128xf32, #tpu.memory_space<vmem>>[vector<16xi32>, vector<16xi32>], vector<16xf32>,
        %add3A_330 = arith.addf %scan3A_260, %gather3A_329 : vector<16xf32>
        %add3A_331 = arith.constant 11 : i32
        %add3A_332 = vector.broadcast %add3A_331 : i32 to vector<16xi32>
        %add3A_333 = arith.addi %get3A_272, %add3A_332 : vector<16xi32>
        %gather3A_334 = tpu.vector_load_idx %arg12[%add3A_276, %add3A_333] : memref<128x128xf32, #tpu.memory_space<vmem>>[vector<16xi32>, vector<16xi32>], vector<16xf32>,
        %add3A_335 = arith.addf %scan3A_261, %gather3A_334 : vector<16xf32>
        %add3A_336 = arith.constant 12 : i32
        %add3A_337 = vector.broadcast %add3A_336 : i32 to vector<16xi32>
        %add3A_338 = arith.addi %get3A_272, %add3A_337 : vector<16xi32>
        %gather3A_339 = tpu.vector_load_idx %arg12[%add3A_276, %add3A_338] : memref<128x128xf32, #tpu.memory_space<vmem>>[vector<16xi32>, vector<16xi32>], vector<16xf32>,
        %add3A_340 = arith.addf %scan3A_262, %gather3A_339 : vector<16xf32>
        %add3A_341 = arith.constant 13 : i32
        %add3A_342 = vector.broadcast %add3A_341 : i32 to vector<16xi32>
        %add3A_343 = arith.addi %get3A_272, %add3A_342 : vector<16xi32>
        %gather3A_344 = tpu.vector_load_idx %arg12[%add3A_276, %add3A_343] : memref<128x128xf32, #tpu.memory_space<vmem>>[vector<16xi32>, vector<16xi32>], vector<16xf32>,
        %add3A_345 = arith.addf %scan3A_263, %gather3A_344 : vector<16xf32>
        %add3A_346 = arith.constant 14 : i32
        %add3A_347 = vector.broadcast %add3A_346 : i32 to vector<16xi32>
        %add3A_348 = arith.addi %get3A_272, %add3A_347 : vector<16xi32>
        %gather3A_349 = tpu.vector_load_idx %arg12[%add3A_276, %add3A_348] : memref<128x128xf32, #tpu.memory_space<vmem>>[vector<16xi32>, vector<16xi32>], vector<16xf32>,
        %add3A_350 = arith.addf %scan3A_264, %gather3A_349 : vector<16xf32>
        %add3A_351 = arith.constant 15 : i32
        %add3A_352 = vector.broadcast %add3A_351 : i32 to vector<16xi32>
        %add3A_353 = arith.addi %get3A_272, %add3A_352 : vector<16xi32>
        %gather3A_354 = tpu.vector_load_idx %arg12[%add3A_276, %add3A_353] : memref<128x128xf32, #tpu.memory_space<vmem>>[vector<16xi32>, vector<16xi32>], vector<16xf32>,
        %add3A_355 = arith.addf %scan3A_265, %gather3A_354 : vector<16xf32>
        scf.yield %add3A_280, %add3A_285, %add3A_290, %add3A_295, %add3A_300, %add3A_305, %add3A_310, %add3A_315, %add3A_320, %add3A_325, %add3A_330, %add3A_335, %add3A_340, %add3A_345, %add3A_350, %add3A_355 : vector<16xf32>, vector<16xf32>, vector<16xf32>, vector<16xf32>, vector<16xf32>, vector<16xf32>, vector<16xf32>, vector<16xf32>, vector<16xf32>, vector<16xf32>, vector<16xf32>, vector<16xf32>, vector<16xf32>, vector<16xf32>, vector<16xf32>, vector<16xf32>
      }
      %scan3A_76 = arith.constant 8 : i32
      %mul3A_77 = arith.constant 4 : i32
      %mul3A_78 = arith.muli %scan3A_32, %mul3A_77 : i32
      %add3A_79 = arith.constant 2 : i32
      %add3A_80 = arith.addi %mul3A_78, %add3A_79 : i32
      %mul3A_81 = arith.constant 128 : i32
      %mul3A_82 = arith.muli %add3A_80, %mul3A_81 : i32
      %dma_wait3A_83 = tpu.memref_slice %arg9[%mul3A_82] : memref<16384xi32, #tpu.memory_space<vmem>> -> memref<128xi32, #tpu.memory_space<vmem>>
      %dma_wait3A_84 = arith.constant 0 : i32
      %dma_wait3A_85 = arith.constant 0 : i32
      %dma_wait3A_86 = tpu.memref_slice %arg4[%dma_wait3A_84, %dma_wait3A_85] : memref<125000x128xf32, #tpu.memory_space<hbm>> -> memref<125000x128xf32, #tpu.memory_space<hbm>>
      tpu.wait_indirect_dma semaphore(%arg23 : memref<!tpu.dma_semaphore, #tpu.memory_space<semaphore_mem>>) src(%dma_wait3A_86 : memref<125000x128xf32, #tpu.memory_space<hbm>>) dst(%arg13 : memref<128x128xf32, #tpu.memory_space<vmem>>)
      %add3A_87 = arith.constant 4 : i32
      %add3A_88 = arith.addi %add3A_80, %add3A_87 : i32
      %lt3A_89 = arith.constant 128 : i32
      %lt3A_90 = arith.cmpi slt, %add3A_88, %lt3A_89 : i32
      %convert_element_type3A_91 = arith.extui %lt3A_90 : i1 to i32
      %cond3A_92 = arith.constant 0 : i32
      %cond3A_93 = arith.cmpi ne, %convert_element_type3A_91, %cond3A_92 : i32
      scf.if %cond3A_93 {
        %add3A_249 = arith.constant 4 : i32
        %add3A_250 = arith.addi %add3A_80, %add3A_249 : i32
        %mul3A_251 = arith.constant 128 : i32
        %mul3A_252 = arith.muli %add3A_250, %mul3A_251 : i32
        %dma_start3A_253 = tpu.memref_slice %arg9[%mul3A_252] : memref<16384xi32, #tpu.memory_space<vmem>> -> memref<128xi32, #tpu.memory_space<vmem>>
        %dma_start3A_254 = arith.constant 0 : i32
        %dma_start3A_255 = arith.constant 0 : i32
        %dma_start3A_256 = tpu.memref_slice %arg4[%dma_start3A_254, %dma_start3A_255] : memref<125000x128xf32, #tpu.memory_space<hbm>> -> memref<125000x128xf32, #tpu.memory_space<hbm>>
        tpu.enqueue_indirect_dma source(%dma_start3A_256 : memref<125000x128xf32, #tpu.memory_space<hbm>>) target(%arg13 : memref<128x128xf32, #tpu.memory_space<vmem>>) offsets(%dma_start3A_253 : memref<128xi32, #tpu.memory_space<vmem>>) semaphore(%arg23 : memref<!tpu.dma_semaphore, #tpu.memory_space<semaphore_mem>>)
      } else {
      }
      %scan3A_94 = arith.constant 0 : i32
      %scan3A_95 = arith.constant 8 : i32
      %scan3A_96 = arith.addi %scan3A_94, %scan3A_95 : i32
      %scan3A_97 = arith.constant 1 : i32
      %scan3A_98:16 = scf.for %scan3A_249 = %scan3A_94 to %scan3A_96 step %scan3A_97 iter_args(%scan3A_250 = %scan3A_75#0, %scan3A_251 = %scan3A_75#1, %scan3A_252 = %scan3A_75#2, %scan3A_253 = %scan3A_75#3, %scan3A_254 = %scan3A_75#4, %scan3A_255 = %scan3A_75#5, %scan3A_256 = %scan3A_75#6, %scan3A_257 = %scan3A_75#7, %scan3A_258 = %scan3A_75#8, %scan3A_259 = %scan3A_75#9, %scan3A_260 = %scan3A_75#10, %scan3A_261 = %scan3A_75#11, %scan3A_262 = %scan3A_75#12, %scan3A_263 = %scan3A_75#13, %scan3A_264 = %scan3A_75#14, %scan3A_265 = %scan3A_75#15) -> (vector<16xf32>, vector<16xf32>, vector<16xf32>, vector<16xf32>, vector<16xf32>, vector<16xf32>, vector<16xf32>, vector<16xf32>, vector<16xf32>, vector<16xf32>, vector<16xf32>, vector<16xf32>, vector<16xf32>, vector<16xf32>, vector<16xf32>, vector<16xf32>)  : i32 {
        %mul3A_266 = arith.constant 128 : i32
        %mul3A_267 = arith.muli %add3A_80, %mul3A_266 : i32
        %mul3A_268 = arith.constant 16 : i32
        %mul3A_269 = arith.muli %scan3A_249, %mul3A_268 : i32
        %add3A_270 = arith.addi %mul3A_267, %mul3A_269 : i32
        %get3A_271 = arith.index_cast %add3A_270 : i32 to index
        %get3A_272 = tpu.vector_load %arg10[%get3A_271] {strides = array<i32>} : memref<16384xi32, #tpu.memory_space<vmem>>, vector<16xi32>,
        %mul3A_273 = arith.constant 16 : i32
        %mul3A_274 = arith.muli %scan3A_249, %mul3A_273 : i32
        %add3A_275 = vector.broadcast %mul3A_274 : i32 to vector<16xi32>
        %add3A_276 = arith.addi %iota3A, %add3A_275 : vector<16xi32>
        %add3A_277 = arith.constant 0 : i32
        %add3A_278 = vector.broadcast %add3A_277 : i32 to vector<16xi32>
        %add3A_279 = arith.addi %get3A_272, %add3A_278 : vector<16xi32>
        %gather3A = tpu.vector_load_idx %arg13[%add3A_276, %add3A_279] : memref<128x128xf32, #tpu.memory_space<vmem>>[vector<16xi32>, vector<16xi32>], vector<16xf32>,
        %add3A_280 = arith.addf %scan3A_250, %gather3A : vector<16xf32>
        %add3A_281 = arith.constant 1 : i32
        %add3A_282 = vector.broadcast %add3A_281 : i32 to vector<16xi32>
        %add3A_283 = arith.addi %get3A_272, %add3A_282 : vector<16xi32>
        %gather3A_284 = tpu.vector_load_idx %arg13[%add3A_276, %add3A_283] : memref<128x128xf32, #tpu.memory_space<vmem>>[vector<16xi32>, vector<16xi32>], vector<16xf32>,
        %add3A_285 = arith.addf %scan3A_251, %gather3A_284 : vector<16xf32>
        %add3A_286 = arith.constant 2 : i32
        %add3A_287 = vector.broadcast %add3A_286 : i32 to vector<16xi32>
        %add3A_288 = arith.addi %get3A_272, %add3A_287 : vector<16xi32>
        %gather3A_289 = tpu.vector_load_idx %arg13[%add3A_276, %add3A_288] : memref<128x128xf32, #tpu.memory_space<vmem>>[vector<16xi32>, vector<16xi32>], vector<16xf32>,
        %add3A_290 = arith.addf %scan3A_252, %gather3A_289 : vector<16xf32>
        %add3A_291 = arith.constant 3 : i32
        %add3A_292 = vector.broadcast %add3A_291 : i32 to vector<16xi32>
        %add3A_293 = arith.addi %get3A_272, %add3A_292 : vector<16xi32>
        %gather3A_294 = tpu.vector_load_idx %arg13[%add3A_276, %add3A_293] : memref<128x128xf32, #tpu.memory_space<vmem>>[vector<16xi32>, vector<16xi32>], vector<16xf32>,
        %add3A_295 = arith.addf %scan3A_253, %gather3A_294 : vector<16xf32>
        %add3A_296 = arith.constant 4 : i32
        %add3A_297 = vector.broadcast %add3A_296 : i32 to vector<16xi32>
        %add3A_298 = arith.addi %get3A_272, %add3A_297 : vector<16xi32>
        %gather3A_299 = tpu.vector_load_idx %arg13[%add3A_276, %add3A_298] : memref<128x128xf32, #tpu.memory_space<vmem>>[vector<16xi32>, vector<16xi32>], vector<16xf32>,
        %add3A_300 = arith.addf %scan3A_254, %gather3A_299 : vector<16xf32>
        %add3A_301 = arith.constant 5 : i32
        %add3A_302 = vector.broadcast %add3A_301 : i32 to vector<16xi32>
        %add3A_303 = arith.addi %get3A_272, %add3A_302 : vector<16xi32>
        %gather3A_304 = tpu.vector_load_idx %arg13[%add3A_276, %add3A_303] : memref<128x128xf32, #tpu.memory_space<vmem>>[vector<16xi32>, vector<16xi32>], vector<16xf32>,
        %add3A_305 = arith.addf %scan3A_255, %gather3A_304 : vector<16xf32>
        %add3A_306 = arith.constant 6 : i32
        %add3A_307 = vector.broadcast %add3A_306 : i32 to vector<16xi32>
        %add3A_308 = arith.addi %get3A_272, %add3A_307 : vector<16xi32>
        %gather3A_309 = tpu.vector_load_idx %arg13[%add3A_276, %add3A_308] : memref<128x128xf32, #tpu.memory_space<vmem>>[vector<16xi32>, vector<16xi32>], vector<16xf32>,
        %add3A_310 = arith.addf %scan3A_256, %gather3A_309 : vector<16xf32>
        %add3A_311 = arith.constant 7 : i32
        %add3A_312 = vector.broadcast %add3A_311 : i32 to vector<16xi32>
        %add3A_313 = arith.addi %get3A_272, %add3A_312 : vector<16xi32>
        %gather3A_314 = tpu.vector_load_idx %arg13[%add3A_276, %add3A_313] : memref<128x128xf32, #tpu.memory_space<vmem>>[vector<16xi32>, vector<16xi32>], vector<16xf32>,
        %add3A_315 = arith.addf %scan3A_257, %gather3A_314 : vector<16xf32>
        %add3A_316 = arith.constant 8 : i32
        %add3A_317 = vector.broadcast %add3A_316 : i32 to vector<16xi32>
        %add3A_318 = arith.addi %get3A_272, %add3A_317 : vector<16xi32>
        %gather3A_319 = tpu.vector_load_idx %arg13[%add3A_276, %add3A_318] : memref<128x128xf32, #tpu.memory_space<vmem>>[vector<16xi32>, vector<16xi32>], vector<16xf32>,
        %add3A_320 = arith.addf %scan3A_258, %gather3A_319 : vector<16xf32>
        %add3A_321 = arith.constant 9 : i32
        %add3A_322 = vector.broadcast %add3A_321 : i32 to vector<16xi32>
        %add3A_323 = arith.addi %get3A_272, %add3A_322 : vector<16xi32>
        %gather3A_324 = tpu.vector_load_idx %arg13[%add3A_276, %add3A_323] : memref<128x128xf32, #tpu.memory_space<vmem>>[vector<16xi32>, vector<16xi32>], vector<16xf32>,
        %add3A_325 = arith.addf %scan3A_259, %gather3A_324 : vector<16xf32>
        %add3A_326 = arith.constant 10 : i32
        %add3A_327 = vector.broadcast %add3A_326 : i32 to vector<16xi32>
        %add3A_328 = arith.addi %get3A_272, %add3A_327 : vector<16xi32>
        %gather3A_329 = tpu.vector_load_idx %arg13[%add3A_276, %add3A_328] : memref<128x128xf32, #tpu.memory_space<vmem>>[vector<16xi32>, vector<16xi32>], vector<16xf32>,
        %add3A_330 = arith.addf %scan3A_260, %gather3A_329 : vector<16xf32>
        %add3A_331 = arith.constant 11 : i32
        %add3A_332 = vector.broadcast %add3A_331 : i32 to vector<16xi32>
        %add3A_333 = arith.addi %get3A_272, %add3A_332 : vector<16xi32>
        %gather3A_334 = tpu.vector_load_idx %arg13[%add3A_276, %add3A_333] : memref<128x128xf32, #tpu.memory_space<vmem>>[vector<16xi32>, vector<16xi32>], vector<16xf32>,
        %add3A_335 = arith.addf %scan3A_261, %gather3A_334 : vector<16xf32>
        %add3A_336 = arith.constant 12 : i32
        %add3A_337 = vector.broadcast %add3A_336 : i32 to vector<16xi32>
        %add3A_338 = arith.addi %get3A_272, %add3A_337 : vector<16xi32>
        %gather3A_339 = tpu.vector_load_idx %arg13[%add3A_276, %add3A_338] : memref<128x128xf32, #tpu.memory_space<vmem>>[vector<16xi32>, vector<16xi32>], vector<16xf32>,
        %add3A_340 = arith.addf %scan3A_262, %gather3A_339 : vector<16xf32>
        %add3A_341 = arith.constant 13 : i32
        %add3A_342 = vector.broadcast %add3A_341 : i32 to vector<16xi32>
        %add3A_343 = arith.addi %get3A_272, %add3A_342 : vector<16xi32>
        %gather3A_344 = tpu.vector_load_idx %arg13[%add3A_276, %add3A_343] : memref<128x128xf32, #tpu.memory_space<vmem>>[vector<16xi32>, vector<16xi32>], vector<16xf32>,
        %add3A_345 = arith.addf %scan3A_263, %gather3A_344 : vector<16xf32>
        %add3A_346 = arith.constant 14 : i32
        %add3A_347 = vector.broadcast %add3A_346 : i32 to vector<16xi32>
        %add3A_348 = arith.addi %get3A_272, %add3A_347 : vector<16xi32>
        %gather3A_349 = tpu.vector_load_idx %arg13[%add3A_276, %add3A_348] : memref<128x128xf32, #tpu.memory_space<vmem>>[vector<16xi32>, vector<16xi32>], vector<16xf32>,
        %add3A_350 = arith.addf %scan3A_264, %gather3A_349 : vector<16xf32>
        %add3A_351 = arith.constant 15 : i32
        %add3A_352 = vector.broadcast %add3A_351 : i32 to vector<16xi32>
        %add3A_353 = arith.addi %get3A_272, %add3A_352 : vector<16xi32>
        %gather3A_354 = tpu.vector_load_idx %arg13[%add3A_276, %add3A_353] : memref<128x128xf32, #tpu.memory_space<vmem>>[vector<16xi32>, vector<16xi32>], vector<16xf32>,
        %add3A_355 = arith.addf %scan3A_265, %gather3A_354 : vector<16xf32>
        scf.yield %add3A_280, %add3A_285, %add3A_290, %add3A_295, %add3A_300, %add3A_305, %add3A_310, %add3A_315, %add3A_320, %add3A_325, %add3A_330, %add3A_335, %add3A_340, %add3A_345, %add3A_350, %add3A_355 : vector<16xf32>, vector<16xf32>, vector<16xf32>, vector<16xf32>, vector<16xf32>, vector<16xf32>, vector<16xf32>, vector<16xf32>, vector<16xf32>, vector<16xf32>, vector<16xf32>, vector<16xf32>, vector<16xf32>, vector<16xf32>, vector<16xf32>, vector<16xf32>
      }
      %scan3A_99 = arith.constant 8 : i32
      %mul3A_100 = arith.constant 4 : i32
      %mul3A_101 = arith.muli %scan3A_32, %mul3A_100 : i32
      %add3A_102 = arith.constant 3 : i32
      %add3A_103 = arith.addi %mul3A_101, %add3A_102 : i32
      %mul3A_104 = arith.constant 128 : i32
      %mul3A_105 = arith.muli %add3A_103, %mul3A_104 : i32
      %dma_wait3A_106 = tpu.memref_slice %arg9[%mul3A_105] : memref<16384xi32, #tpu.memory_space<vmem>> -> memref<128xi32, #tpu.memory_space<vmem>>
      %dma_wait3A_107 = arith.constant 0 : i32
      %dma_wait3A_108 = arith.constant 0 : i32
      %dma_wait3A_109 = tpu.memref_slice %arg4[%dma_wait3A_107, %dma_wait3A_108] : memref<125000x128xf32, #tpu.memory_space<hbm>> -> memref<125000x128xf32, #tpu.memory_space<hbm>>
      tpu.wait_indirect_dma semaphore(%arg24 : memref<!tpu.dma_semaphore, #tpu.memory_space<semaphore_mem>>) src(%dma_wait3A_109 : memref<125000x128xf32, #tpu.memory_space<hbm>>) dst(%arg14 : memref<128x128xf32, #tpu.memory_space<vmem>>)
      %add3A_110 = arith.constant 4 : i32
      %add3A_111 = arith.addi %add3A_103, %add3A_110 : i32
      %lt3A_112 = arith.constant 128 : i32
      %lt3A_113 = arith.cmpi slt, %add3A_111, %lt3A_112 : i32
      %convert_element_type3A_114 = arith.extui %lt3A_113 : i1 to i32
      %cond3A_115 = arith.constant 0 : i32
      %cond3A_116 = arith.cmpi ne, %convert_element_type3A_114, %cond3A_115 : i32
      scf.if %cond3A_116 {
        %add3A_249 = arith.constant 4 : i32
        %add3A_250 = arith.addi %add3A_103, %add3A_249 : i32
        %mul3A_251 = arith.constant 128 : i32
        %mul3A_252 = arith.muli %add3A_250, %mul3A_251 : i32
        %dma_start3A_253 = tpu.memref_slice %arg9[%mul3A_252] : memref<16384xi32, #tpu.memory_space<vmem>> -> memref<128xi32, #tpu.memory_space<vmem>>
        %dma_start3A_254 = arith.constant 0 : i32
        %dma_start3A_255 = arith.constant 0 : i32
        %dma_start3A_256 = tpu.memref_slice %arg4[%dma_start3A_254, %dma_start3A_255] : memref<125000x128xf32, #tpu.memory_space<hbm>> -> memref<125000x128xf32, #tpu.memory_space<hbm>>
        tpu.enqueue_indirect_dma source(%dma_start3A_256 : memref<125000x128xf32, #tpu.memory_space<hbm>>) target(%arg14 : memref<128x128xf32, #tpu.memory_space<vmem>>) offsets(%dma_start3A_253 : memref<128xi32, #tpu.memory_space<vmem>>) semaphore(%arg24 : memref<!tpu.dma_semaphore, #tpu.memory_space<semaphore_mem>>)
      } else {
      }
      %scan3A_117 = arith.constant 0 : i32
      %scan3A_118 = arith.constant 8 : i32
      %scan3A_119 = arith.addi %scan3A_117, %scan3A_118 : i32
      %scan3A_120 = arith.constant 1 : i32
      %scan3A_121:16 = scf.for %scan3A_249 = %scan3A_117 to %scan3A_119 step %scan3A_120 iter_args(%scan3A_250 = %scan3A_98#0, %scan3A_251 = %scan3A_98#1, %scan3A_252 = %scan3A_98#2, %scan3A_253 = %scan3A_98#3, %scan3A_254 = %scan3A_98#4, %scan3A_255 = %scan3A_98#5, %scan3A_256 = %scan3A_98#6, %scan3A_257 = %scan3A_98#7, %scan3A_258 = %scan3A_98#8, %scan3A_259 = %scan3A_98#9, %scan3A_260 = %scan3A_98#10, %scan3A_261 = %scan3A_98#11, %scan3A_262 = %scan3A_98#12, %scan3A_263 = %scan3A_98#13, %scan3A_264 = %scan3A_98#14, %scan3A_265 = %scan3A_98#15) -> (vector<16xf32>, vector<16xf32>, vector<16xf32>, vector<16xf32>, vector<16xf32>, vector<16xf32>, vector<16xf32>, vector<16xf32>, vector<16xf32>, vector<16xf32>, vector<16xf32>, vector<16xf32>, vector<16xf32>, vector<16xf32>, vector<16xf32>, vector<16xf32>)  : i32 {
        %mul3A_266 = arith.constant 128 : i32
        %mul3A_267 = arith.muli %add3A_103, %mul3A_266 : i32
        %mul3A_268 = arith.constant 16 : i32
        %mul3A_269 = arith.muli %scan3A_249, %mul3A_268 : i32
        %add3A_270 = arith.addi %mul3A_267, %mul3A_269 : i32
        %get3A_271 = arith.index_cast %add3A_270 : i32 to index
        %get3A_272 = tpu.vector_load %arg10[%get3A_271] {strides = array<i32>} : memref<16384xi32, #tpu.memory_space<vmem>>, vector<16xi32>,
        %mul3A_273 = arith.constant 16 : i32
        %mul3A_274 = arith.muli %scan3A_249, %mul3A_273 : i32
        %add3A_275 = vector.broadcast %mul3A_274 : i32 to vector<16xi32>
        %add3A_276 = arith.addi %iota3A, %add3A_275 : vector<16xi32>
        %add3A_277 = arith.constant 0 : i32
        %add3A_278 = vector.broadcast %add3A_277 : i32 to vector<16xi32>
        %add3A_279 = arith.addi %get3A_272, %add3A_278 : vector<16xi32>
        %gather3A = tpu.vector_load_idx %arg14[%add3A_276, %add3A_279] : memref<128x128xf32, #tpu.memory_space<vmem>>[vector<16xi32>, vector<16xi32>], vector<16xf32>,
        %add3A_280 = arith.addf %scan3A_250, %gather3A : vector<16xf32>
        %add3A_281 = arith.constant 1 : i32
        %add3A_282 = vector.broadcast %add3A_281 : i32 to vector<16xi32>
        %add3A_283 = arith.addi %get3A_272, %add3A_282 : vector<16xi32>
        %gather3A_284 = tpu.vector_load_idx %arg14[%add3A_276, %add3A_283] : memref<128x128xf32, #tpu.memory_space<vmem>>[vector<16xi32>, vector<16xi32>], vector<16xf32>,
        %add3A_285 = arith.addf %scan3A_251, %gather3A_284 : vector<16xf32>
        %add3A_286 = arith.constant 2 : i32
        %add3A_287 = vector.broadcast %add3A_286 : i32 to vector<16xi32>
        %add3A_288 = arith.addi %get3A_272, %add3A_287 : vector<16xi32>
        %gather3A_289 = tpu.vector_load_idx %arg14[%add3A_276, %add3A_288] : memref<128x128xf32, #tpu.memory_space<vmem>>[vector<16xi32>, vector<16xi32>], vector<16xf32>,
        %add3A_290 = arith.addf %scan3A_252, %gather3A_289 : vector<16xf32>
        %add3A_291 = arith.constant 3 : i32
        %add3A_292 = vector.broadcast %add3A_291 : i32 to vector<16xi32>
        %add3A_293 = arith.addi %get3A_272, %add3A_292 : vector<16xi32>
        %gather3A_294 = tpu.vector_load_idx %arg14[%add3A_276, %add3A_293] : memref<128x128xf32, #tpu.memory_space<vmem>>[vector<16xi32>, vector<16xi32>], vector<16xf32>,
        %add3A_295 = arith.addf %scan3A_253, %gather3A_294 : vector<16xf32>
        %add3A_296 = arith.constant 4 : i32
        %add3A_297 = vector.broadcast %add3A_296 : i32 to vector<16xi32>
        %add3A_298 = arith.addi %get3A_272, %add3A_297 : vector<16xi32>
        %gather3A_299 = tpu.vector_load_idx %arg14[%add3A_276, %add3A_298] : memref<128x128xf32, #tpu.memory_space<vmem>>[vector<16xi32>, vector<16xi32>], vector<16xf32>,
        %add3A_300 = arith.addf %scan3A_254, %gather3A_299 : vector<16xf32>
        %add3A_301 = arith.constant 5 : i32
        %add3A_302 = vector.broadcast %add3A_301 : i32 to vector<16xi32>
        %add3A_303 = arith.addi %get3A_272, %add3A_302 : vector<16xi32>
        %gather3A_304 = tpu.vector_load_idx %arg14[%add3A_276, %add3A_303] : memref<128x128xf32, #tpu.memory_space<vmem>>[vector<16xi32>, vector<16xi32>], vector<16xf32>,
        %add3A_305 = arith.addf %scan3A_255, %gather3A_304 : vector<16xf32>
        %add3A_306 = arith.constant 6 : i32
        %add3A_307 = vector.broadcast %add3A_306 : i32 to vector<16xi32>
        %add3A_308 = arith.addi %get3A_272, %add3A_307 : vector<16xi32>
        %gather3A_309 = tpu.vector_load_idx %arg14[%add3A_276, %add3A_308] : memref<128x128xf32, #tpu.memory_space<vmem>>[vector<16xi32>, vector<16xi32>], vector<16xf32>,
        %add3A_310 = arith.addf %scan3A_256, %gather3A_309 : vector<16xf32>
        %add3A_311 = arith.constant 7 : i32
        %add3A_312 = vector.broadcast %add3A_311 : i32 to vector<16xi32>
        %add3A_313 = arith.addi %get3A_272, %add3A_312 : vector<16xi32>
        %gather3A_314 = tpu.vector_load_idx %arg14[%add3A_276, %add3A_313] : memref<128x128xf32, #tpu.memory_space<vmem>>[vector<16xi32>, vector<16xi32>], vector<16xf32>,
        %add3A_315 = arith.addf %scan3A_257, %gather3A_314 : vector<16xf32>
        %add3A_316 = arith.constant 8 : i32
        %add3A_317 = vector.broadcast %add3A_316 : i32 to vector<16xi32>
        %add3A_318 = arith.addi %get3A_272, %add3A_317 : vector<16xi32>
        %gather3A_319 = tpu.vector_load_idx %arg14[%add3A_276, %add3A_318] : memref<128x128xf32, #tpu.memory_space<vmem>>[vector<16xi32>, vector<16xi32>], vector<16xf32>,
        %add3A_320 = arith.addf %scan3A_258, %gather3A_319 : vector<16xf32>
        %add3A_321 = arith.constant 9 : i32
        %add3A_322 = vector.broadcast %add3A_321 : i32 to vector<16xi32>
        %add3A_323 = arith.addi %get3A_272, %add3A_322 : vector<16xi32>
        %gather3A_324 = tpu.vector_load_idx %arg14[%add3A_276, %add3A_323] : memref<128x128xf32, #tpu.memory_space<vmem>>[vector<16xi32>, vector<16xi32>], vector<16xf32>,
        %add3A_325 = arith.addf %scan3A_259, %gather3A_324 : vector<16xf32>
        %add3A_326 = arith.constant 10 : i32
        %add3A_327 = vector.broadcast %add3A_326 : i32 to vector<16xi32>
        %add3A_328 = arith.addi %get3A_272, %add3A_327 : vector<16xi32>
        %gather3A_329 = tpu.vector_load_idx %arg14[%add3A_276, %add3A_328] : memref<128x128xf32, #tpu.memory_space<vmem>>[vector<16xi32>, vector<16xi32>], vector<16xf32>,
        %add3A_330 = arith.addf %scan3A_260, %gather3A_329 : vector<16xf32>
        %add3A_331 = arith.constant 11 : i32
        %add3A_332 = vector.broadcast %add3A_331 : i32 to vector<16xi32>
        %add3A_333 = arith.addi %get3A_272, %add3A_332 : vector<16xi32>
        %gather3A_334 = tpu.vector_load_idx %arg14[%add3A_276, %add3A_333] : memref<128x128xf32, #tpu.memory_space<vmem>>[vector<16xi32>, vector<16xi32>], vector<16xf32>,
        %add3A_335 = arith.addf %scan3A_261, %gather3A_334 : vector<16xf32>
        %add3A_336 = arith.constant 12 : i32
        %add3A_337 = vector.broadcast %add3A_336 : i32 to vector<16xi32>
        %add3A_338 = arith.addi %get3A_272, %add3A_337 : vector<16xi32>
        %gather3A_339 = tpu.vector_load_idx %arg14[%add3A_276, %add3A_338] : memref<128x128xf32, #tpu.memory_space<vmem>>[vector<16xi32>, vector<16xi32>], vector<16xf32>,
        %add3A_340 = arith.addf %scan3A_262, %gather3A_339 : vector<16xf32>
        %add3A_341 = arith.constant 13 : i32
        %add3A_342 = vector.broadcast %add3A_341 : i32 to vector<16xi32>
        %add3A_343 = arith.addi %get3A_272, %add3A_342 : vector<16xi32>
        %gather3A_344 = tpu.vector_load_idx %arg14[%add3A_276, %add3A_343] : memref<128x128xf32, #tpu.memory_space<vmem>>[vector<16xi32>, vector<16xi32>], vector<16xf32>,
        %add3A_345 = arith.addf %scan3A_263, %gather3A_344 : vector<16xf32>
        %add3A_346 = arith.constant 14 : i32
        %add3A_347 = vector.broadcast %add3A_346 : i32 to vector<16xi32>
        %add3A_348 = arith.addi %get3A_272, %add3A_347 : vector<16xi32>
        %gather3A_349 = tpu.vector_load_idx %arg14[%add3A_276, %add3A_348] : memref<128x128xf32, #tpu.memory_space<vmem>>[vector<16xi32>, vector<16xi32>], vector<16xf32>,
        %add3A_350 = arith.addf %scan3A_264, %gather3A_349 : vector<16xf32>
        %add3A_351 = arith.constant 15 : i32
        %add3A_352 = vector.broadcast %add3A_351 : i32 to vector<16xi32>
        %add3A_353 = arith.addi %get3A_272, %add3A_352 : vector<16xi32>
        %gather3A_354 = tpu.vector_load_idx %arg14[%add3A_276, %add3A_353] : memref<128x128xf32, #tpu.memory_space<vmem>>[vector<16xi32>, vector<16xi32>], vector<16xf32>,
        %add3A_355 = arith.addf %scan3A_265, %gather3A_354 : vector<16xf32>
        scf.yield %add3A_280, %add3A_285, %add3A_290, %add3A_295, %add3A_300, %add3A_305, %add3A_310, %add3A_315, %add3A_320, %add3A_325, %add3A_330, %add3A_335, %add3A_340, %add3A_345, %add3A_350, %add3A_355 : vector<16xf32>, vector<16xf32>, vector<16xf32>, vector<16xf32>, vector<16xf32>, vector<16xf32>, vector<16xf32>, vector<16xf32>, vector<16xf32>, vector<16xf32>, vector<16xf32>, vector<16xf32>, vector<16xf32>, vector<16xf32>, vector<16xf32>, vector<16xf32>
      }
      %scan3A_122 = arith.constant 8 : i32
      %broadcast_in_dim3A_123 = arith.constant 0 : i32
      %broadcast_in_dim3A_124 = vector.broadcast %broadcast_in_dim3A_123 : i32 to vector<16xi32>
      tpu.vector_store_idx %arg15[%iota3A, %broadcast_in_dim3A_124], %scan3A_121#0 : memref<16x16xf32, #tpu.memory_space<vmem>>[vector<16xi32>, vector<16xi32>], vector<16xf32>,
      %broadcast_in_dim3A_125 = arith.constant 1 : i32
      %broadcast_in_dim3A_126 = vector.broadcast %broadcast_in_dim3A_125 : i32 to vector<16xi32>
      tpu.vector_store_idx %arg15[%iota3A, %broadcast_in_dim3A_126], %scan3A_121#1 : memref<16x16xf32, #tpu.memory_space<vmem>>[vector<16xi32>, vector<16xi32>], vector<16xf32>,
      %broadcast_in_dim3A_127 = arith.constant 2 : i32
      %broadcast_in_dim3A_128 = vector.broadcast %broadcast_in_dim3A_127 : i32 to vector<16xi32>
      tpu.vector_store_idx %arg15[%iota3A, %broadcast_in_dim3A_128], %scan3A_121#2 : memref<16x16xf32, #tpu.memory_space<vmem>>[vector<16xi32>, vector<16xi32>], vector<16xf32>,
      %broadcast_in_dim3A_129 = arith.constant 3 : i32
      %broadcast_in_dim3A_130 = vector.broadcast %broadcast_in_dim3A_129 : i32 to vector<16xi32>
      tpu.vector_store_idx %arg15[%iota3A, %broadcast_in_dim3A_130], %scan3A_121#3 : memref<16x16xf32, #tpu.memory_space<vmem>>[vector<16xi32>, vector<16xi32>], vector<16xf32>,
      %broadcast_in_dim3A_131 = arith.constant 4 : i32
      %broadcast_in_dim3A_132 = vector.broadcast %broadcast_in_dim3A_131 : i32 to vector<16xi32>
      tpu.vector_store_idx %arg15[%iota3A, %broadcast_in_dim3A_132], %scan3A_121#4 : memref<16x16xf32, #tpu.memory_space<vmem>>[vector<16xi32>, vector<16xi32>], vector<16xf32>,
      %broadcast_in_dim3A_133 = arith.constant 5 : i32
      %broadcast_in_dim3A_134 = vector.broadcast %broadcast_in_dim3A_133 : i32 to vector<16xi32>
      tpu.vector_store_idx %arg15[%iota3A, %broadcast_in_dim3A_134], %scan3A_121#5 : memref<16x16xf32, #tpu.memory_space<vmem>>[vector<16xi32>, vector<16xi32>], vector<16xf32>,
      %broadcast_in_dim3A_135 = arith.constant 6 : i32
      %broadcast_in_dim3A_136 = vector.broadcast %broadcast_in_dim3A_135 : i32 to vector<16xi32>
      tpu.vector_store_idx %arg15[%iota3A, %broadcast_in_dim3A_136], %scan3A_121#6 : memref<16x16xf32, #tpu.memory_space<vmem>>[vector<16xi32>, vector<16xi32>], vector<16xf32>,
      %broadcast_in_dim3A_137 = arith.constant 7 : i32
      %broadcast_in_dim3A_138 = vector.broadcast %broadcast_in_dim3A_137 : i32 to vector<16xi32>
      tpu.vector_store_idx %arg15[%iota3A, %broadcast_in_dim3A_138], %scan3A_121#7 : memref<16x16xf32, #tpu.memory_space<vmem>>[vector<16xi32>, vector<16xi32>], vector<16xf32>,
      %broadcast_in_dim3A_139 = arith.constant 8 : i32
      %broadcast_in_dim3A_140 = vector.broadcast %broadcast_in_dim3A_139 : i32 to vector<16xi32>
      tpu.vector_store_idx %arg15[%iota3A, %broadcast_in_dim3A_140], %scan3A_121#8 : memref<16x16xf32, #tpu.memory_space<vmem>>[vector<16xi32>, vector<16xi32>], vector<16xf32>,
      %broadcast_in_dim3A_141 = arith.constant 9 : i32
      %broadcast_in_dim3A_142 = vector.broadcast %broadcast_in_dim3A_141 : i32 to vector<16xi32>
      tpu.vector_store_idx %arg15[%iota3A, %broadcast_in_dim3A_142], %scan3A_121#9 : memref<16x16xf32, #tpu.memory_space<vmem>>[vector<16xi32>, vector<16xi32>], vector<16xf32>,
      %broadcast_in_dim3A_143 = arith.constant 10 : i32
      %broadcast_in_dim3A_144 = vector.broadcast %broadcast_in_dim3A_143 : i32 to vector<16xi32>
      tpu.vector_store_idx %arg15[%iota3A, %broadcast_in_dim3A_144], %scan3A_121#10 : memref<16x16xf32, #tpu.memory_space<vmem>>[vector<16xi32>, vector<16xi32>], vector<16xf32>,
      %broadcast_in_dim3A_145 = arith.constant 11 : i32
      %broadcast_in_dim3A_146 = vector.broadcast %broadcast_in_dim3A_145 : i32 to vector<16xi32>
      tpu.vector_store_idx %arg15[%iota3A, %broadcast_in_dim3A_146], %scan3A_121#11 : memref<16x16xf32, #tpu.memory_space<vmem>>[vector<16xi32>, vector<16xi32>], vector<16xf32>,
      %broadcast_in_dim3A_147 = arith.constant 12 : i32
      %broadcast_in_dim3A_148 = vector.broadcast %broadcast_in_dim3A_147 : i32 to vector<16xi32>
      tpu.vector_store_idx %arg15[%iota3A, %broadcast_in_dim3A_148], %scan3A_121#12 : memref<16x16xf32, #tpu.memory_space<vmem>>[vector<16xi32>, vector<16xi32>], vector<16xf32>,
      %broadcast_in_dim3A_149 = arith.constant 13 : i32
      %broadcast_in_dim3A_150 = vector.broadcast %broadcast_in_dim3A_149 : i32 to vector<16xi32>
      tpu.vector_store_idx %arg15[%iota3A, %broadcast_in_dim3A_150], %scan3A_121#13 : memref<16x16xf32, #tpu.memory_space<vmem>>[vector<16xi32>, vector<16xi32>], vector<16xf32>,
      %broadcast_in_dim3A_151 = arith.constant 14 : i32
      %broadcast_in_dim3A_152 = vector.broadcast %broadcast_in_dim3A_151 : i32 to vector<16xi32>
      tpu.vector_store_idx %arg15[%iota3A, %broadcast_in_dim3A_152], %scan3A_121#14 : memref<16x16xf32, #tpu.memory_space<vmem>>[vector<16xi32>, vector<16xi32>], vector<16xf32>,
      %broadcast_in_dim3A_153 = arith.constant 15 : i32
      %broadcast_in_dim3A_154 = vector.broadcast %broadcast_in_dim3A_153 : i32 to vector<16xi32>
      tpu.vector_store_idx %arg15[%iota3A, %broadcast_in_dim3A_154], %scan3A_121#15 : memref<16x16xf32, #tpu.memory_space<vmem>>[vector<16xi32>, vector<16xi32>], vector<16xf32>,
      %get3A = arith.constant 0 : i32
      %get3A_155 = arith.index_cast %get3A : i32 to index
      %get3A_156 = arith.constant 0 : index
      %get3A_157 = tpu.vector_load %arg15[%get3A_155, %get3A_156] {strides = array<i32>} : memref<16x16xf32, #tpu.memory_space<vmem>>, vector<16xf32>,
      %get3A_158 = arith.constant 1 : i32
      %get3A_159 = arith.index_cast %get3A_158 : i32 to index
      %get3A_160 = arith.constant 0 : index
      %get3A_161 = tpu.vector_load %arg15[%get3A_159, %get3A_160] {strides = array<i32>} : memref<16x16xf32, #tpu.memory_space<vmem>>, vector<16xf32>,
      %add3A_162 = arith.addf %get3A_157, %get3A_161 : vector<16xf32>
      %get3A_163 = arith.constant 2 : i32
      %get3A_164 = arith.index_cast %get3A_163 : i32 to index
      %get3A_165 = arith.constant 0 : index
      %get3A_166 = tpu.vector_load %arg15[%get3A_164, %get3A_165] {strides = array<i32>} : memref<16x16xf32, #tpu.memory_space<vmem>>, vector<16xf32>,
      %add3A_167 = arith.addf %add3A_162, %get3A_166 : vector<16xf32>
      %get3A_168 = arith.constant 3 : i32
      %get3A_169 = arith.index_cast %get3A_168 : i32 to index
      %get3A_170 = arith.constant 0 : index
      %get3A_171 = tpu.vector_load %arg15[%get3A_169, %get3A_170] {strides = array<i32>} : memref<16x16xf32, #tpu.memory_space<vmem>>, vector<16xf32>,
      %add3A_172 = arith.addf %add3A_167, %get3A_171 : vector<16xf32>
      %get3A_173 = arith.constant 4 : i32
      %get3A_174 = arith.index_cast %get3A_173 : i32 to index
      %get3A_175 = arith.constant 0 : index
      %get3A_176 = tpu.vector_load %arg15[%get3A_174, %get3A_175] {strides = array<i32>} : memref<16x16xf32, #tpu.memory_space<vmem>>, vector<16xf32>,
      %add3A_177 = arith.addf %add3A_172, %get3A_176 : vector<16xf32>
      %get3A_178 = arith.constant 5 : i32
      %get3A_179 = arith.index_cast %get3A_178 : i32 to index
      %get3A_180 = arith.constant 0 : index
      %get3A_181 = tpu.vector_load %arg15[%get3A_179, %get3A_180] {strides = array<i32>} : memref<16x16xf32, #tpu.memory_space<vmem>>, vector<16xf32>,
      %add3A_182 = arith.addf %add3A_177, %get3A_181 : vector<16xf32>
      %get3A_183 = arith.constant 6 : i32
      %get3A_184 = arith.index_cast %get3A_183 : i32 to index
      %get3A_185 = arith.constant 0 : index
      %get3A_186 = tpu.vector_load %arg15[%get3A_184, %get3A_185] {strides = array<i32>} : memref<16x16xf32, #tpu.memory_space<vmem>>, vector<16xf32>,
      %add3A_187 = arith.addf %add3A_182, %get3A_186 : vector<16xf32>
      %get3A_188 = arith.constant 7 : i32
      %get3A_189 = arith.index_cast %get3A_188 : i32 to index
      %get3A_190 = arith.constant 0 : index
      %get3A_191 = tpu.vector_load %arg15[%get3A_189, %get3A_190] {strides = array<i32>} : memref<16x16xf32, #tpu.memory_space<vmem>>, vector<16xf32>,
      %add3A_192 = arith.addf %add3A_187, %get3A_191 : vector<16xf32>
      %get3A_193 = arith.constant 8 : i32
      %get3A_194 = arith.index_cast %get3A_193 : i32 to index
      %get3A_195 = arith.constant 0 : index
      %get3A_196 = tpu.vector_load %arg15[%get3A_194, %get3A_195] {strides = array<i32>} : memref<16x16xf32, #tpu.memory_space<vmem>>, vector<16xf32>,
      %add3A_197 = arith.addf %add3A_192, %get3A_196 : vector<16xf32>
      %get3A_198 = arith.constant 9 : i32
      %get3A_199 = arith.index_cast %get3A_198 : i32 to index
      %get3A_200 = arith.constant 0 : index
      %get3A_201 = tpu.vector_load %arg15[%get3A_199, %get3A_200] {strides = array<i32>} : memref<16x16xf32, #tpu.memory_space<vmem>>, vector<16xf32>,
      %add3A_202 = arith.addf %add3A_197, %get3A_201 : vector<16xf32>
      %get3A_203 = arith.constant 10 : i32
      %get3A_204 = arith.index_cast %get3A_203 : i32 to index
      %get3A_205 = arith.constant 0 : index
      %get3A_206 = tpu.vector_load %arg15[%get3A_204, %get3A_205] {strides = array<i32>} : memref<16x16xf32, #tpu.memory_space<vmem>>, vector<16xf32>,
      %add3A_207 = arith.addf %add3A_202, %get3A_206 : vector<16xf32>
      %get3A_208 = arith.constant 11 : i32
      %get3A_209 = arith.index_cast %get3A_208 : i32 to index
      %get3A_210 = arith.constant 0 : index
      %get3A_211 = tpu.vector_load %arg15[%get3A_209, %get3A_210] {strides = array<i32>} : memref<16x16xf32, #tpu.memory_space<vmem>>, vector<16xf32>,
      %add3A_212 = arith.addf %add3A_207, %get3A_211 : vector<16xf32>
      %get3A_213 = arith.constant 12 : i32
      %get3A_214 = arith.index_cast %get3A_213 : i32 to index
      %get3A_215 = arith.constant 0 : index
      %get3A_216 = tpu.vector_load %arg15[%get3A_214, %get3A_215] {strides = array<i32>} : memref<16x16xf32, #tpu.memory_space<vmem>>, vector<16xf32>,
      %add3A_217 = arith.addf %add3A_212, %get3A_216 : vector<16xf32>
      %get3A_218 = arith.constant 13 : i32
      %get3A_219 = arith.index_cast %get3A_218 : i32 to index
      %get3A_220 = arith.constant 0 : index
      %get3A_221 = tpu.vector_load %arg15[%get3A_219, %get3A_220] {strides = array<i32>} : memref<16x16xf32, #tpu.memory_space<vmem>>, vector<16xf32>,
      %add3A_222 = arith.addf %add3A_217, %get3A_221 : vector<16xf32>
      %get3A_223 = arith.constant 14 : i32
      %get3A_224 = arith.index_cast %get3A_223 : i32 to index
      %get3A_225 = arith.constant 0 : index
      %get3A_226 = tpu.vector_load %arg15[%get3A_224, %get3A_225] {strides = array<i32>} : memref<16x16xf32, #tpu.memory_space<vmem>>, vector<16xf32>,
      %add3A_227 = arith.addf %add3A_222, %get3A_226 : vector<16xf32>
      %get3A_228 = arith.constant 15 : i32
      %get3A_229 = arith.index_cast %get3A_228 : i32 to index
      %get3A_230 = arith.constant 0 : index
      %get3A_231 = tpu.vector_load %arg15[%get3A_229, %get3A_230] {strides = array<i32>} : memref<16x16xf32, #tpu.memory_space<vmem>>, vector<16xf32>,
      %add3A_232 = arith.addf %add3A_227, %get3A_231 : vector<16xf32>
      %get3A_233 = arith.constant 0 : index
      %get3A_234 = tpu.vector_load %arg16[%get3A_233] {strides = array<i32>} : memref<16xf32, #tpu.memory_space<vmem>>, vector<16xf32>,
      %add3A_235 = arith.addf %add3A_232, %get3A_234 : vector<16xf32>
      %max3A = arith.constant 0.000000e+00 : f32
      %max3A_236 = vector.broadcast %max3A : f32 to vector<16xf32>
      %max3A_237 = arith.maximumf %add3A_235, %max3A_236 : vector<16xf32>
      %and3A = arith.constant 15 : i32
      %and3A_238 = arith.andi %scan3A_32, %and3A : i32
      %mul3A_239 = arith.constant 0 : i32
      %mul3A_240 = vector.broadcast %mul3A_239 : i32 to vector<16xi32>
      %mul3A_241 = arith.muli %iota3A, %mul3A_240 : vector<16xi32>
      %add3A_242 = vector.broadcast %and3A_238 : i32 to vector<16xi32>
      %add3A_243 = arith.addi %mul3A_241, %add3A_242 : vector<16xi32>
      tpu.vector_store_idx %arg19[%iota3A, %add3A_243], %max3A_237 : memref<16x16xf32, #tpu.memory_space<vmem>>[vector<16xi32>, vector<16xi32>], vector<16xf32>,
      %eq3A = arith.constant 15 : i32
      %eq3A_244 = arith.cmpi eq, %and3A_238, %eq3A : i32
      %convert_element_type3A_245 = arith.extui %eq3A_244 : i1 to i32
      %cond3A_246 = arith.constant 0 : i32
      %cond3A_247 = arith.cmpi ne, %convert_element_type3A_245, %cond3A_246 : i32
      scf.if %cond3A_247 {
        %get3A_249 = arith.constant 0 : index
        %get3A_250 = tpu.vector_load %arg18[%get3A_249] {strides = array<i32>} : memref<16xf32, #tpu.memory_space<vmem>>, vector<16xf32>,
        %get3A_251 = arith.constant 0 : i32
        %get3A_252 = arith.index_cast %get3A_251 : i32 to index
        %get3A_253 = arith.constant 0 : index
        %get3A_254 = tpu.vector_load %arg19[%get3A_252, %get3A_253] {strides = array<i32>} : memref<16x16xf32, #tpu.memory_space<vmem>>, vector<16xf32>,
        %get3A_255 = arith.constant 0 : i32
        %get3A_256 = arith.index_cast %get3A_255 : i32 to index
        %get3A_257 = arith.constant 0 : index
        %get3A_258 = tpu.vector_load %arg17[%get3A_256, %get3A_257] {strides = array<i32>} : memref<16x16xf32, #tpu.memory_space<vmem>>, vector<16xf32>,
        %mul3A_259 = arith.mulf %get3A_254, %get3A_258 : vector<16xf32>
        %add3A_260 = arith.addf %get3A_250, %mul3A_259 : vector<16xf32>
        %get3A_261 = arith.constant 1 : i32
        %get3A_262 = arith.index_cast %get3A_261 : i32 to index
        %get3A_263 = arith.constant 0 : index
        %get3A_264 = tpu.vector_load %arg19[%get3A_262, %get3A_263] {strides = array<i32>} : memref<16x16xf32, #tpu.memory_space<vmem>>, vector<16xf32>,
        %get3A_265 = arith.constant 1 : i32
        %get3A_266 = arith.index_cast %get3A_265 : i32 to index
        %get3A_267 = arith.constant 0 : index
        %get3A_268 = tpu.vector_load %arg17[%get3A_266, %get3A_267] {strides = array<i32>} : memref<16x16xf32, #tpu.memory_space<vmem>>, vector<16xf32>,
        %mul3A_269 = arith.mulf %get3A_264, %get3A_268 : vector<16xf32>
        %add3A_270 = arith.addf %add3A_260, %mul3A_269 : vector<16xf32>
        %get3A_271 = arith.constant 2 : i32
        %get3A_272 = arith.index_cast %get3A_271 : i32 to index
        %get3A_273 = arith.constant 0 : index
        %get3A_274 = tpu.vector_load %arg19[%get3A_272, %get3A_273] {strides = array<i32>} : memref<16x16xf32, #tpu.memory_space<vmem>>, vector<16xf32>,
        %get3A_275 = arith.constant 2 : i32
        %get3A_276 = arith.index_cast %get3A_275 : i32 to index
        %get3A_277 = arith.constant 0 : index
        %get3A_278 = tpu.vector_load %arg17[%get3A_276, %get3A_277] {strides = array<i32>} : memref<16x16xf32, #tpu.memory_space<vmem>>, vector<16xf32>,
        %mul3A_279 = arith.mulf %get3A_274, %get3A_278 : vector<16xf32>
        %add3A_280 = arith.addf %add3A_270, %mul3A_279 : vector<16xf32>
        %get3A_281 = arith.constant 3 : i32
        %get3A_282 = arith.index_cast %get3A_281 : i32 to index
        %get3A_283 = arith.constant 0 : index
        %get3A_284 = tpu.vector_load %arg19[%get3A_282, %get3A_283] {strides = array<i32>} : memref<16x16xf32, #tpu.memory_space<vmem>>, vector<16xf32>,
        %get3A_285 = arith.constant 3 : i32
        %get3A_286 = arith.index_cast %get3A_285 : i32 to index
        %get3A_287 = arith.constant 0 : index
        %get3A_288 = tpu.vector_load %arg17[%get3A_286, %get3A_287] {strides = array<i32>} : memref<16x16xf32, #tpu.memory_space<vmem>>, vector<16xf32>,
        %mul3A_289 = arith.mulf %get3A_284, %get3A_288 : vector<16xf32>
        %add3A_290 = arith.addf %add3A_280, %mul3A_289 : vector<16xf32>
        %get3A_291 = arith.constant 4 : i32
        %get3A_292 = arith.index_cast %get3A_291 : i32 to index
        %get3A_293 = arith.constant 0 : index
        %get3A_294 = tpu.vector_load %arg19[%get3A_292, %get3A_293] {strides = array<i32>} : memref<16x16xf32, #tpu.memory_space<vmem>>, vector<16xf32>,
        %get3A_295 = arith.constant 4 : i32
        %get3A_296 = arith.index_cast %get3A_295 : i32 to index
        %get3A_297 = arith.constant 0 : index
        %get3A_298 = tpu.vector_load %arg17[%get3A_296, %get3A_297] {strides = array<i32>} : memref<16x16xf32, #tpu.memory_space<vmem>>, vector<16xf32>,
        %mul3A_299 = arith.mulf %get3A_294, %get3A_298 : vector<16xf32>
        %add3A_300 = arith.addf %add3A_290, %mul3A_299 : vector<16xf32>
        %get3A_301 = arith.constant 5 : i32
        %get3A_302 = arith.index_cast %get3A_301 : i32 to index
        %get3A_303 = arith.constant 0 : index
        %get3A_304 = tpu.vector_load %arg19[%get3A_302, %get3A_303] {strides = array<i32>} : memref<16x16xf32, #tpu.memory_space<vmem>>, vector<16xf32>,
        %get3A_305 = arith.constant 5 : i32
        %get3A_306 = arith.index_cast %get3A_305 : i32 to index
        %get3A_307 = arith.constant 0 : index
        %get3A_308 = tpu.vector_load %arg17[%get3A_306, %get3A_307] {strides = array<i32>} : memref<16x16xf32, #tpu.memory_space<vmem>>, vector<16xf32>,
        %mul3A_309 = arith.mulf %get3A_304, %get3A_308 : vector<16xf32>
        %add3A_310 = arith.addf %add3A_300, %mul3A_309 : vector<16xf32>
        %get3A_311 = arith.constant 6 : i32
        %get3A_312 = arith.index_cast %get3A_311 : i32 to index
        %get3A_313 = arith.constant 0 : index
        %get3A_314 = tpu.vector_load %arg19[%get3A_312, %get3A_313] {strides = array<i32>} : memref<16x16xf32, #tpu.memory_space<vmem>>, vector<16xf32>,
        %get3A_315 = arith.constant 6 : i32
        %get3A_316 = arith.index_cast %get3A_315 : i32 to index
        %get3A_317 = arith.constant 0 : index
        %get3A_318 = tpu.vector_load %arg17[%get3A_316, %get3A_317] {strides = array<i32>} : memref<16x16xf32, #tpu.memory_space<vmem>>, vector<16xf32>,
        %mul3A_319 = arith.mulf %get3A_314, %get3A_318 : vector<16xf32>
        %add3A_320 = arith.addf %add3A_310, %mul3A_319 : vector<16xf32>
        %get3A_321 = arith.constant 7 : i32
        %get3A_322 = arith.index_cast %get3A_321 : i32 to index
        %get3A_323 = arith.constant 0 : index
        %get3A_324 = tpu.vector_load %arg19[%get3A_322, %get3A_323] {strides = array<i32>} : memref<16x16xf32, #tpu.memory_space<vmem>>, vector<16xf32>,
        %get3A_325 = arith.constant 7 : i32
        %get3A_326 = arith.index_cast %get3A_325 : i32 to index
        %get3A_327 = arith.constant 0 : index
        %get3A_328 = tpu.vector_load %arg17[%get3A_326, %get3A_327] {strides = array<i32>} : memref<16x16xf32, #tpu.memory_space<vmem>>, vector<16xf32>,
        %mul3A_329 = arith.mulf %get3A_324, %get3A_328 : vector<16xf32>
        %add3A_330 = arith.addf %add3A_320, %mul3A_329 : vector<16xf32>
        %get3A_331 = arith.constant 8 : i32
        %get3A_332 = arith.index_cast %get3A_331 : i32 to index
        %get3A_333 = arith.constant 0 : index
        %get3A_334 = tpu.vector_load %arg19[%get3A_332, %get3A_333] {strides = array<i32>} : memref<16x16xf32, #tpu.memory_space<vmem>>, vector<16xf32>,
        %get3A_335 = arith.constant 8 : i32
        %get3A_336 = arith.index_cast %get3A_335 : i32 to index
        %get3A_337 = arith.constant 0 : index
        %get3A_338 = tpu.vector_load %arg17[%get3A_336, %get3A_337] {strides = array<i32>} : memref<16x16xf32, #tpu.memory_space<vmem>>, vector<16xf32>,
        %mul3A_339 = arith.mulf %get3A_334, %get3A_338 : vector<16xf32>
        %add3A_340 = arith.addf %add3A_330, %mul3A_339 : vector<16xf32>
        %get3A_341 = arith.constant 9 : i32
        %get3A_342 = arith.index_cast %get3A_341 : i32 to index
        %get3A_343 = arith.constant 0 : index
        %get3A_344 = tpu.vector_load %arg19[%get3A_342, %get3A_343] {strides = array<i32>} : memref<16x16xf32, #tpu.memory_space<vmem>>, vector<16xf32>,
        %get3A_345 = arith.constant 9 : i32
        %get3A_346 = arith.index_cast %get3A_345 : i32 to index
        %get3A_347 = arith.constant 0 : index
        %get3A_348 = tpu.vector_load %arg17[%get3A_346, %get3A_347] {strides = array<i32>} : memref<16x16xf32, #tpu.memory_space<vmem>>, vector<16xf32>,
        %mul3A_349 = arith.mulf %get3A_344, %get3A_348 : vector<16xf32>
        %add3A_350 = arith.addf %add3A_340, %mul3A_349 : vector<16xf32>
        %get3A_351 = arith.constant 10 : i32
        %get3A_352 = arith.index_cast %get3A_351 : i32 to index
        %get3A_353 = arith.constant 0 : index
        %get3A_354 = tpu.vector_load %arg19[%get3A_352, %get3A_353] {strides = array<i32>} : memref<16x16xf32, #tpu.memory_space<vmem>>, vector<16xf32>,
        %get3A_355 = arith.constant 10 : i32
        %get3A_356 = arith.index_cast %get3A_355 : i32 to index
        %get3A_357 = arith.constant 0 : index
        %get3A_358 = tpu.vector_load %arg17[%get3A_356, %get3A_357] {strides = array<i32>} : memref<16x16xf32, #tpu.memory_space<vmem>>, vector<16xf32>,
        %mul3A_359 = arith.mulf %get3A_354, %get3A_358 : vector<16xf32>
        %add3A_360 = arith.addf %add3A_350, %mul3A_359 : vector<16xf32>
        %get3A_361 = arith.constant 11 : i32
        %get3A_362 = arith.index_cast %get3A_361 : i32 to index
        %get3A_363 = arith.constant 0 : index
        %get3A_364 = tpu.vector_load %arg19[%get3A_362, %get3A_363] {strides = array<i32>} : memref<16x16xf32, #tpu.memory_space<vmem>>, vector<16xf32>,
        %get3A_365 = arith.constant 11 : i32
        %get3A_366 = arith.index_cast %get3A_365 : i32 to index
        %get3A_367 = arith.constant 0 : index
        %get3A_368 = tpu.vector_load %arg17[%get3A_366, %get3A_367] {strides = array<i32>} : memref<16x16xf32, #tpu.memory_space<vmem>>, vector<16xf32>,
        %mul3A_369 = arith.mulf %get3A_364, %get3A_368 : vector<16xf32>
        %add3A_370 = arith.addf %add3A_360, %mul3A_369 : vector<16xf32>
        %get3A_371 = arith.constant 12 : i32
        %get3A_372 = arith.index_cast %get3A_371 : i32 to index
        %get3A_373 = arith.constant 0 : index
        %get3A_374 = tpu.vector_load %arg19[%get3A_372, %get3A_373] {strides = array<i32>} : memref<16x16xf32, #tpu.memory_space<vmem>>, vector<16xf32>,
        %get3A_375 = arith.constant 12 : i32
        %get3A_376 = arith.index_cast %get3A_375 : i32 to index
        %get3A_377 = arith.constant 0 : index
        %get3A_378 = tpu.vector_load %arg17[%get3A_376, %get3A_377] {strides = array<i32>} : memref<16x16xf32, #tpu.memory_space<vmem>>, vector<16xf32>,
        %mul3A_379 = arith.mulf %get3A_374, %get3A_378 : vector<16xf32>
        %add3A_380 = arith.addf %add3A_370, %mul3A_379 : vector<16xf32>
        %get3A_381 = arith.constant 13 : i32
        %get3A_382 = arith.index_cast %get3A_381 : i32 to index
        %get3A_383 = arith.constant 0 : index
        %get3A_384 = tpu.vector_load %arg19[%get3A_382, %get3A_383] {strides = array<i32>} : memref<16x16xf32, #tpu.memory_space<vmem>>, vector<16xf32>,
        %get3A_385 = arith.constant 13 : i32
        %get3A_386 = arith.index_cast %get3A_385 : i32 to index
        %get3A_387 = arith.constant 0 : index
        %get3A_388 = tpu.vector_load %arg17[%get3A_386, %get3A_387] {strides = array<i32>} : memref<16x16xf32, #tpu.memory_space<vmem>>, vector<16xf32>,
        %mul3A_389 = arith.mulf %get3A_384, %get3A_388 : vector<16xf32>
        %add3A_390 = arith.addf %add3A_380, %mul3A_389 : vector<16xf32>
        %get3A_391 = arith.constant 14 : i32
        %get3A_392 = arith.index_cast %get3A_391 : i32 to index
        %get3A_393 = arith.constant 0 : index
        %get3A_394 = tpu.vector_load %arg19[%get3A_392, %get3A_393] {strides = array<i32>} : memref<16x16xf32, #tpu.memory_space<vmem>>, vector<16xf32>,
        %get3A_395 = arith.constant 14 : i32
        %get3A_396 = arith.index_cast %get3A_395 : i32 to index
        %get3A_397 = arith.constant 0 : index
        %get3A_398 = tpu.vector_load %arg17[%get3A_396, %get3A_397] {strides = array<i32>} : memref<16x16xf32, #tpu.memory_space<vmem>>, vector<16xf32>,
        %mul3A_399 = arith.mulf %get3A_394, %get3A_398 : vector<16xf32>
        %add3A_400 = arith.addf %add3A_390, %mul3A_399 : vector<16xf32>
        %get3A_401 = arith.constant 15 : i32
        %get3A_402 = arith.index_cast %get3A_401 : i32 to index
        %get3A_403 = arith.constant 0 : index
        %get3A_404 = tpu.vector_load %arg19[%get3A_402, %get3A_403] {strides = array<i32>} : memref<16x16xf32, #tpu.memory_space<vmem>>, vector<16xf32>,
        %get3A_405 = arith.constant 15 : i32
        %get3A_406 = arith.index_cast %get3A_405 : i32 to index
        %get3A_407 = arith.constant 0 : index
        %get3A_408 = tpu.vector_load %arg17[%get3A_406, %get3A_407] {strides = array<i32>} : memref<16x16xf32, #tpu.memory_space<vmem>>, vector<16xf32>,
        %mul3A_409 = arith.mulf %get3A_404, %get3A_408 : vector<16xf32>
        %add3A_410 = arith.addf %add3A_400, %mul3A_409 : vector<16xf32>
        %neg3A = arith.constant 0.000000e+00 : f32
        %neg3A_411 = vector.broadcast %neg3A : f32 to vector<16xf32>
        %neg3A_412 = arith.subf %neg3A_411, %add3A_410 : vector<16xf32>
        %exp3A = math.exp %neg3A_412 : vector<16xf32>
        %add3A_413 = arith.constant 1.000000e+00 : f32
        %add3A_414 = vector.broadcast %add3A_413 : f32 to vector<16xf32>
        %add3A_415 = arith.addf %add3A_414, %exp3A : vector<16xf32>
        %div3A = arith.constant 1.000000e+00 : f32
        %div3A_416 = vector.broadcast %div3A : f32 to vector<16xf32>
        %div3A_417 = arith.divf %div3A_416, %add3A_415 : vector<16xf32>
        %shift_right_logical3A = arith.constant 4 : i32
        %shift_right_logical3A_418 = arith.shrui %scan3A_32, %shift_right_logical3A : i32
        %mul3A_419 = arith.constant 16 : i32
        %mul3A_420 = arith.muli %shift_right_logical3A_418, %mul3A_419 : i32
        %swap3A = arith.index_cast %mul3A_420 : i32 to index
        %swap3A_421 = tpu.vector_load %arg20[%swap3A] {strides = array<i32>} : memref<32xf32, #tpu.memory_space<vmem>>, vector<16xf32>,
        tpu.vector_store %arg20[%swap3A], %div3A_417 {strides = array<i32>} : memref<32xf32, #tpu.memory_space<vmem>>, vector<16xf32>,
      } else {
      }
      %scan3A_248 = arith.constant 0 : i32
      scf.yield %scan3A_248 : i32
    }
    %scan3A_29 = arith.constant 32 : i32
    %mul3A_30 = arith.constant 32 : i32
    %mul3A_31 = arith.muli %add3A, %mul3A_30 : i32
    "tpu.region"() ({
      %run_scoped3A = tpu.sem_alloc : memref<!tpu.dma_semaphore, #tpu.memory_space<semaphore_mem>>
      %dma_start3A_32 = tpu.memref_slice %arg8[%mul3A_31] : memref<1024xf32, #tpu.memory_space<hbm>> -> memref<32xf32, #tpu.memory_space<hbm>>
      %dma_start3A_33 = tpu.memref_slice %arg8[%mul3A_31] : memref<1024xf32, #tpu.memory_space<hbm>> -> memref<32xf32, #tpu.memory_space<hbm>>
      tpu.enqueue_dma source(%arg20 : memref<32xf32, #tpu.memory_space<vmem>>) target(%dma_start3A_33 : memref<32xf32, #tpu.memory_space<hbm>>) target_semaphore(%run_scoped3A : memref<!tpu.dma_semaphore, #tpu.memory_space<semaphore_mem>>)
      %dma_wait3A = tpu.memref_slice %arg8[%mul3A_31] : memref<1024xf32, #tpu.memory_space<hbm>> -> memref<32xf32, #tpu.memory_space<hbm>>
      %dma_wait3A_34 = tpu.memref_slice %arg8[%mul3A_31] : memref<1024xf32, #tpu.memory_space<hbm>> -> memref<32xf32, #tpu.memory_space<hbm>>
      tpu.wait_dma2 semaphore(%run_scoped3A : memref<!tpu.dma_semaphore, #tpu.memory_space<semaphore_mem>>) src(%arg20 : memref<32xf32, #tpu.memory_space<vmem>>) dst(%dma_wait3A_34 : memref<32xf32, #tpu.memory_space<hbm>>)
      tpu.yield
    }) : () -> ()
    return
  }
}

module attributes {stable_mosaic.version = 14 : i64} {
  func.func @_proj_body(%arg0: i32, %arg1: memref<8000x300xf32, #tpu.memory_space<vmem>>, %arg2: memref<2400x128xbf16, #tpu.memory_space<vmem>>, %arg3: memref<4096x128xi32, #tpu.memory_space<vmem>>, %arg4: memref<1000x128xf32, #tpu.memory_space<vmem>>, %arg5: memref<4096x128xi32, #tpu.memory_space<vmem>>, %arg6: memref<4096x128xi32, #tpu.memory_space<vmem>>) attributes {dimension_semantics = [#tpu.dimension_semantics<arbitrary>], iteration_bounds = array<i64: 125>, scalar_prefetch = 0 : i64, scratch_operands = 0 : i64, tpu.core_type = #tpu.core_type<tc>, window_params = [{transform_indices = @transform_0, window_bounds = array<i64: 8000, 300>}, {pipeline_mode = #tpu.pipeline_mode<synchronous>, transform_indices = @transform_1, window_bounds = array<i64: 2400, 128>}, {pipeline_mode = #tpu.pipeline_mode<synchronous>, transform_indices = @transform_2, window_bounds = array<i64: 4096, 128>}, {transform_indices = @transform_3, window_bounds = array<i64: 1000, 128>}, {pipeline_mode = #tpu.pipeline_mode<synchronous>, transform_indices = @transform_4, window_bounds = array<i64: 4096, 128>}, {pipeline_mode = #tpu.pipeline_mode<synchronous>, transform_indices = @transform_5, window_bounds = array<i64: 4096, 128>}]} {
    %broadcast_in_dim3A = arith.constant 0.000000e+00 : f32
    %broadcast_in_dim3A_0 = vector.broadcast %broadcast_in_dim3A : f32 to vector<1000x128xf32>
    %get3A = arith.constant 0 : index
    %get3A_1 = arith.constant 0 : index
    %get3A_2 = vector.load %arg1[%get3A, %get3A_1] : memref<8000x300xf32, #tpu.memory_space<vmem>>, vector<1000x300xf32>
    %get3A_3 = arith.constant 0 : index
    %get3A_4 = arith.constant 0 : index
    %get3A_5 = vector.load %arg2[%get3A_3, %get3A_4] : memref<2400x128xbf16, #tpu.memory_space<vmem>>, vector<300x128xbf16>
    %convert_element_type3A = arith.truncf %get3A_2 : vector<1000x300xf32> to vector<1000x300xbf16>
    %dot_general3A = arith.constant dense<0.000000e+00> : vector<1000x128xf32>
    %dot_general3A_6 = tpu.matmul %convert_element_type3A, %get3A_5, %dot_general3A {dimension_numbers = #tpu.dot_dimension_numbers<[1], [0], [0], [1], [0, 0, 1, 1], [], []>, transpose_lhs_hint = false} : vector<1000x300xbf16>, vector<300x128xbf16>, vector<1000x128xf32> -> vector<1000x128xf32>
    %add3A = arith.addf %broadcast_in_dim3A_0, %dot_general3A_6 : vector<1000x128xf32>
    %get3A_7 = arith.constant 1000 : index
    %get3A_8 = arith.constant 0 : index
    %get3A_9 = vector.load %arg1[%get3A_7, %get3A_8] : memref<8000x300xf32, #tpu.memory_space<vmem>>, vector<1000x300xf32>
    %get3A_10 = arith.constant 300 : index
    %get3A_11 = arith.constant 0 : index
    %get3A_12 = vector.load %arg2[%get3A_10, %get3A_11] : memref<2400x128xbf16, #tpu.memory_space<vmem>>, vector<300x128xbf16>
    %convert_element_type3A_13 = arith.truncf %get3A_9 : vector<1000x300xf32> to vector<1000x300xbf16>
    %dot_general3A_14 = arith.constant dense<0.000000e+00> : vector<1000x128xf32>
    %dot_general3A_15 = tpu.matmul %convert_element_type3A_13, %get3A_12, %dot_general3A_14 {dimension_numbers = #tpu.dot_dimension_numbers<[1], [0], [0], [1], [0, 0, 1, 1], [], []>, transpose_lhs_hint = false} : vector<1000x300xbf16>, vector<300x128xbf16>, vector<1000x128xf32> -> vector<1000x128xf32>
    %add3A_16 = arith.addf %add3A, %dot_general3A_15 : vector<1000x128xf32>
    %get3A_17 = arith.constant 2000 : index
    %get3A_18 = arith.constant 0 : index
    %get3A_19 = vector.load %arg1[%get3A_17, %get3A_18] : memref<8000x300xf32, #tpu.memory_space<vmem>>, vector<1000x300xf32>
    %get3A_20 = arith.constant 600 : index
    %get3A_21 = arith.constant 0 : index
    %get3A_22 = vector.load %arg2[%get3A_20, %get3A_21] : memref<2400x128xbf16, #tpu.memory_space<vmem>>, vector<300x128xbf16>
    %convert_element_type3A_23 = arith.truncf %get3A_19 : vector<1000x300xf32> to vector<1000x300xbf16>
    %dot_general3A_24 = arith.constant dense<0.000000e+00> : vector<1000x128xf32>
    %dot_general3A_25 = tpu.matmul %convert_element_type3A_23, %get3A_22, %dot_general3A_24 {dimension_numbers = #tpu.dot_dimension_numbers<[1], [0], [0], [1], [0, 0, 1, 1], [], []>, transpose_lhs_hint = false} : vector<1000x300xbf16>, vector<300x128xbf16>, vector<1000x128xf32> -> vector<1000x128xf32>
    %add3A_26 = arith.addf %add3A_16, %dot_general3A_25 : vector<1000x128xf32>
    %get3A_27 = arith.constant 3000 : index
    %get3A_28 = arith.constant 0 : index
    %get3A_29 = vector.load %arg1[%get3A_27, %get3A_28] : memref<8000x300xf32, #tpu.memory_space<vmem>>, vector<1000x300xf32>
    %get3A_30 = arith.constant 900 : index
    %get3A_31 = arith.constant 0 : index
    %get3A_32 = vector.load %arg2[%get3A_30, %get3A_31] : memref<2400x128xbf16, #tpu.memory_space<vmem>>, vector<300x128xbf16>
    %convert_element_type3A_33 = arith.truncf %get3A_29 : vector<1000x300xf32> to vector<1000x300xbf16>
    %dot_general3A_34 = arith.constant dense<0.000000e+00> : vector<1000x128xf32>
    %dot_general3A_35 = tpu.matmul %convert_element_type3A_33, %get3A_32, %dot_general3A_34 {dimension_numbers = #tpu.dot_dimension_numbers<[1], [0], [0], [1], [0, 0, 1, 1], [], []>, transpose_lhs_hint = false} : vector<1000x300xbf16>, vector<300x128xbf16>, vector<1000x128xf32> -> vector<1000x128xf32>
    %add3A_36 = arith.addf %add3A_26, %dot_general3A_35 : vector<1000x128xf32>
    %get3A_37 = arith.constant 4000 : index
    %get3A_38 = arith.constant 0 : index
    %get3A_39 = vector.load %arg1[%get3A_37, %get3A_38] : memref<8000x300xf32, #tpu.memory_space<vmem>>, vector<1000x300xf32>
    %get3A_40 = arith.constant 1200 : index
    %get3A_41 = arith.constant 0 : index
    %get3A_42 = vector.load %arg2[%get3A_40, %get3A_41] : memref<2400x128xbf16, #tpu.memory_space<vmem>>, vector<300x128xbf16>
    %convert_element_type3A_43 = arith.truncf %get3A_39 : vector<1000x300xf32> to vector<1000x300xbf16>
    %dot_general3A_44 = arith.constant dense<0.000000e+00> : vector<1000x128xf32>
    %dot_general3A_45 = tpu.matmul %convert_element_type3A_43, %get3A_42, %dot_general3A_44 {dimension_numbers = #tpu.dot_dimension_numbers<[1], [0], [0], [1], [0, 0, 1, 1], [], []>, transpose_lhs_hint = false} : vector<1000x300xbf16>, vector<300x128xbf16>, vector<1000x128xf32> -> vector<1000x128xf32>
    %add3A_46 = arith.addf %add3A_36, %dot_general3A_45 : vector<1000x128xf32>
    %get3A_47 = arith.constant 5000 : index
    %get3A_48 = arith.constant 0 : index
    %get3A_49 = vector.load %arg1[%get3A_47, %get3A_48] : memref<8000x300xf32, #tpu.memory_space<vmem>>, vector<1000x300xf32>
    %get3A_50 = arith.constant 1500 : index
    %get3A_51 = arith.constant 0 : index
    %get3A_52 = vector.load %arg2[%get3A_50, %get3A_51] : memref<2400x128xbf16, #tpu.memory_space<vmem>>, vector<300x128xbf16>
    %convert_element_type3A_53 = arith.truncf %get3A_49 : vector<1000x300xf32> to vector<1000x300xbf16>
    %dot_general3A_54 = arith.constant dense<0.000000e+00> : vector<1000x128xf32>
    %dot_general3A_55 = tpu.matmul %convert_element_type3A_53, %get3A_52, %dot_general3A_54 {dimension_numbers = #tpu.dot_dimension_numbers<[1], [0], [0], [1], [0, 0, 1, 1], [], []>, transpose_lhs_hint = false} : vector<1000x300xbf16>, vector<300x128xbf16>, vector<1000x128xf32> -> vector<1000x128xf32>
    %add3A_56 = arith.addf %add3A_46, %dot_general3A_55 : vector<1000x128xf32>
    %get3A_57 = arith.constant 6000 : index
    %get3A_58 = arith.constant 0 : index
    %get3A_59 = vector.load %arg1[%get3A_57, %get3A_58] : memref<8000x300xf32, #tpu.memory_space<vmem>>, vector<1000x300xf32>
    %get3A_60 = arith.constant 1800 : index
    %get3A_61 = arith.constant 0 : index
    %get3A_62 = vector.load %arg2[%get3A_60, %get3A_61] : memref<2400x128xbf16, #tpu.memory_space<vmem>>, vector<300x128xbf16>
    %convert_element_type3A_63 = arith.truncf %get3A_59 : vector<1000x300xf32> to vector<1000x300xbf16>
    %dot_general3A_64 = arith.constant dense<0.000000e+00> : vector<1000x128xf32>
    %dot_general3A_65 = tpu.matmul %convert_element_type3A_63, %get3A_62, %dot_general3A_64 {dimension_numbers = #tpu.dot_dimension_numbers<[1], [0], [0], [1], [0, 0, 1, 1], [], []>, transpose_lhs_hint = false} : vector<1000x300xbf16>, vector<300x128xbf16>, vector<1000x128xf32> -> vector<1000x128xf32>
    %add3A_66 = arith.addf %add3A_56, %dot_general3A_65 : vector<1000x128xf32>
    %get3A_67 = arith.constant 7000 : index
    %get3A_68 = arith.constant 0 : index
    %get3A_69 = vector.load %arg1[%get3A_67, %get3A_68] : memref<8000x300xf32, #tpu.memory_space<vmem>>, vector<1000x300xf32>
    %get3A_70 = arith.constant 2100 : index
    %get3A_71 = arith.constant 0 : index
    %get3A_72 = vector.load %arg2[%get3A_70, %get3A_71] : memref<2400x128xbf16, #tpu.memory_space<vmem>>, vector<300x128xbf16>
    %convert_element_type3A_73 = arith.truncf %get3A_69 : vector<1000x300xf32> to vector<1000x300xbf16>
    %dot_general3A_74 = arith.constant dense<0.000000e+00> : vector<1000x128xf32>
    %dot_general3A_75 = tpu.matmul %convert_element_type3A_73, %get3A_72, %dot_general3A_74 {dimension_numbers = #tpu.dot_dimension_numbers<[1], [0], [0], [1], [0, 0, 1, 1], [], []>, transpose_lhs_hint = false} : vector<1000x300xbf16>, vector<300x128xbf16>, vector<1000x128xf32> -> vector<1000x128xf32>
    %add3A_76 = arith.addf %add3A_66, %dot_general3A_75 : vector<1000x128xf32>
    %swap3A = arith.constant 0 : index
    %swap3A_77 = arith.constant 0 : index
    %swap3A_78 = vector.load %arg4[%swap3A, %swap3A_77] : memref<1000x128xf32, #tpu.memory_space<vmem>>, vector<1000x128xf32>
    tpu.vector_store %arg4[%swap3A, %swap3A_77], %add3A_76 {strides = array<i32>} : memref<1000x128xf32, #tpu.memory_space<vmem>>, vector<1000x128xf32>,
    %eq3A = arith.constant 0 : i32
    %eq3A_79 = arith.cmpi eq, %arg0, %eq3A : i32
    %convert_element_type3A_80 = arith.extui %eq3A_79 : i1 to i32
    %cond3A = arith.constant 0 : i32
    %cond3A_81 = arith.cmpi ne, %convert_element_type3A_80, %cond3A : i32
    scf.if %cond3A_81 {
      %get3A_82 = arith.constant 0 : index
      %get3A_83 = arith.constant 0 : index
      %get3A_84 = vector.load %arg3[%get3A_82, %get3A_83] : memref<4096x128xi32, #tpu.memory_space<vmem>>, vector<4096x128xi32>
      %jit3A = arith.constant 8000 : i32
      %div3A = vector.broadcast %jit3A : i32 to vector<4096x128xi32>
      %div3A_85 = arith.divsi %get3A_84, %div3A : vector<4096x128xi32>
      %sign3A = arith.constant 0 : i32
      %sign3A_86 = vector.broadcast %sign3A : i32 to vector<4096x128xi32>
      %sign3A_87 = arith.cmpi sgt, %get3A_84, %sign3A_86 : vector<4096x128xi32>
      %sign3A_88 = arith.extui %sign3A_87 : vector<4096x128xi1> to vector<4096x128xi32>
      %sign3A_89 = arith.constant 0 : i32
      %sign3A_90 = vector.broadcast %sign3A_89 : i32 to vector<4096x128xi32>
      %sign3A_91 = arith.cmpi slt, %get3A_84, %sign3A_90 : vector<4096x128xi32>
      %sign3A_92 = arith.extui %sign3A_91 : vector<4096x128xi1> to vector<4096x128xi32>
      %sign3A_93 = arith.subi %sign3A_88, %sign3A_92 : vector<4096x128xi32>
      %sign3A_94 = arith.constant 0 : i32
      %sign3A_95 = arith.cmpi sgt, %jit3A, %sign3A_94 : i32
      %sign3A_96 = arith.extui %sign3A_95 : i1 to i32
      %sign3A_97 = arith.constant 0 : i32
      %sign3A_98 = arith.cmpi slt, %jit3A, %sign3A_97 : i32
      %sign3A_99 = arith.extui %sign3A_98 : i1 to i32
      %sign3A_100 = arith.subi %sign3A_96, %sign3A_99 : i32
      %ne3A = vector.broadcast %sign3A_100 : i32 to vector<4096x128xi32>
      %ne3A_101 = arith.cmpi ne, %sign3A_93, %ne3A : vector<4096x128xi32>
      %rem3A = vector.broadcast %jit3A : i32 to vector<4096x128xi32>
      %rem3A_102 = arith.remsi %get3A_84, %rem3A : vector<4096x128xi32>
      %ne3A_103 = arith.constant 0 : i32
      %ne3A_104 = vector.broadcast %ne3A_103 : i32 to vector<4096x128xi32>
      %ne3A_105 = arith.cmpi ne, %rem3A_102, %ne3A_104 : vector<4096x128xi32>
      %and3A = arith.andi %ne3A_101, %ne3A_105 : vector<4096x128xi1>
      %sub3A = arith.constant 1 : i32
      %sub3A_106 = vector.broadcast %sub3A : i32 to vector<4096x128xi32>
      %sub3A_107 = arith.subi %div3A_85, %sub3A_106 : vector<4096x128xi32>
      %select_n3A = arith.select %and3A, %sub3A_107, %div3A_85 : vector<4096x128xi1>, vector<4096x128xi32>
      %jit3A_108 = arith.constant 1000 : i32
      %div3A_109 = vector.broadcast %jit3A_108 : i32 to vector<4096x128xi32>
      %div3A_110 = arith.divsi %get3A_84, %div3A_109 : vector<4096x128xi32>
      %sign3A_111 = arith.constant 0 : i32
      %sign3A_112 = vector.broadcast %sign3A_111 : i32 to vector<4096x128xi32>
      %sign3A_113 = arith.cmpi sgt, %get3A_84, %sign3A_112 : vector<4096x128xi32>
      %sign3A_114 = arith.extui %sign3A_113 : vector<4096x128xi1> to vector<4096x128xi32>
      %sign3A_115 = arith.constant 0 : i32
      %sign3A_116 = vector.broadcast %sign3A_115 : i32 to vector<4096x128xi32>
      %sign3A_117 = arith.cmpi slt, %get3A_84, %sign3A_116 : vector<4096x128xi32>
      %sign3A_118 = arith.extui %sign3A_117 : vector<4096x128xi1> to vector<4096x128xi32>
      %sign3A_119 = arith.subi %sign3A_114, %sign3A_118 : vector<4096x128xi32>
      %sign3A_120 = arith.constant 0 : i32
      %sign3A_121 = arith.cmpi sgt, %jit3A_108, %sign3A_120 : i32
      %sign3A_122 = arith.extui %sign3A_121 : i1 to i32
      %sign3A_123 = arith.constant 0 : i32
      %sign3A_124 = arith.cmpi slt, %jit3A_108, %sign3A_123 : i32
      %sign3A_125 = arith.extui %sign3A_124 : i1 to i32
      %sign3A_126 = arith.subi %sign3A_122, %sign3A_125 : i32
      %ne3A_127 = vector.broadcast %sign3A_126 : i32 to vector<4096x128xi32>
      %ne3A_128 = arith.cmpi ne, %sign3A_119, %ne3A_127 : vector<4096x128xi32>
      %rem3A_129 = vector.broadcast %jit3A_108 : i32 to vector<4096x128xi32>
      %rem3A_130 = arith.remsi %get3A_84, %rem3A_129 : vector<4096x128xi32>
      %ne3A_131 = arith.constant 0 : i32
      %ne3A_132 = vector.broadcast %ne3A_131 : i32 to vector<4096x128xi32>
      %ne3A_133 = arith.cmpi ne, %rem3A_130, %ne3A_132 : vector<4096x128xi32>
      %and3A_134 = arith.andi %ne3A_128, %ne3A_133 : vector<4096x128xi1>
      %sub3A_135 = arith.constant 1 : i32
      %sub3A_136 = vector.broadcast %sub3A_135 : i32 to vector<4096x128xi32>
      %sub3A_137 = arith.subi %div3A_110, %sub3A_136 : vector<4096x128xi32>
      %select_n3A_138 = arith.select %and3A_134, %sub3A_137, %div3A_110 : vector<4096x128xi1>, vector<4096x128xi32>
      %jit3A_139 = arith.constant 8 : i32
      %eq3A_140 = arith.constant 0 : i32
      %eq3A_141 = arith.cmpi eq, %jit3A_139, %eq3A_140 : i32
      %jit3A_142 = arith.constant 1 : i32
      %select_n3A_143 = arith.select %eq3A_141, %jit3A_142, %jit3A_139 : i32
      %rem3A_144 = vector.broadcast %select_n3A_143 : i32 to vector<4096x128xi32>
      %rem3A_145 = arith.remsi %select_n3A_138, %rem3A_144 : vector<4096x128xi32>
      %ne3A_146 = arith.constant 0 : i32
      %ne3A_147 = vector.broadcast %ne3A_146 : i32 to vector<4096x128xi32>
      %ne3A_148 = arith.cmpi ne, %rem3A_145, %ne3A_147 : vector<4096x128xi32>
      %lt3A = arith.constant 0 : i32
      %lt3A_149 = vector.broadcast %lt3A : i32 to vector<4096x128xi32>
      %lt3A_150 = arith.cmpi slt, %rem3A_145, %lt3A_149 : vector<4096x128xi32>
      %lt3A_151 = arith.constant 0 : i32
      %lt3A_152 = arith.cmpi slt, %select_n3A_143, %lt3A_151 : i32
      %ne3A_153 = vector.broadcast %lt3A_152 : i1 to vector<4096x128xi1>
      %ne3A_154 = vector.broadcast %ne3A_153 : vector<4096x128xi1> to vector<4096x128xi1>
      %ne3A_155 = arith.xori %lt3A_150, %ne3A_154 : vector<4096x128xi1>
      %and3A_156 = arith.andi %ne3A_155, %ne3A_148 : vector<4096x128xi1>
      %add3A_157 = vector.broadcast %select_n3A_143 : i32 to vector<4096x128xi32>
      %add3A_158 = arith.addi %rem3A_145, %add3A_157 : vector<4096x128xi32>
      %select_n3A_159 = arith.select %and3A_156, %add3A_158, %rem3A_145 : vector<4096x128xi1>, vector<4096x128xi32>
      %jit3A_160 = arith.constant 1000 : i32
      %eq3A_161 = arith.constant 0 : i32
      %eq3A_162 = arith.cmpi eq, %jit3A_160, %eq3A_161 : i32
      %jit3A_163 = arith.constant 1 : i32
      %select_n3A_164 = arith.select %eq3A_162, %jit3A_163, %jit3A_160 : i32
      %rem3A_165 = vector.broadcast %select_n3A_164 : i32 to vector<4096x128xi32>
      %rem3A_166 = arith.remsi %get3A_84, %rem3A_165 : vector<4096x128xi32>
      %ne3A_167 = arith.constant 0 : i32
      %ne3A_168 = vector.broadcast %ne3A_167 : i32 to vector<4096x128xi32>
      %ne3A_169 = arith.cmpi ne, %rem3A_166, %ne3A_168 : vector<4096x128xi32>
      %lt3A_170 = arith.constant 0 : i32
      %lt3A_171 = vector.broadcast %lt3A_170 : i32 to vector<4096x128xi32>
      %lt3A_172 = arith.cmpi slt, %rem3A_166, %lt3A_171 : vector<4096x128xi32>
      %lt3A_173 = arith.constant 0 : i32
      %lt3A_174 = arith.cmpi slt, %select_n3A_164, %lt3A_173 : i32
      %ne3A_175 = vector.broadcast %lt3A_174 : i1 to vector<4096x128xi1>
      %ne3A_176 = vector.broadcast %ne3A_175 : vector<4096x128xi1> to vector<4096x128xi1>
      %ne3A_177 = arith.xori %lt3A_172, %ne3A_176 : vector<4096x128xi1>
      %and3A_178 = arith.andi %ne3A_177, %ne3A_169 : vector<4096x128xi1>
      %add3A_179 = vector.broadcast %select_n3A_164 : i32 to vector<4096x128xi32>
      %add3A_180 = arith.addi %rem3A_166, %add3A_179 : vector<4096x128xi32>
      %select_n3A_181 = arith.select %and3A_178, %add3A_180, %rem3A_166 : vector<4096x128xi1>, vector<4096x128xi32>
      %mul3A = arith.constant 1000 : i32
      %mul3A_182 = vector.broadcast %mul3A : i32 to vector<4096x128xi32>
      %mul3A_183 = arith.muli %select_n3A, %mul3A_182 : vector<4096x128xi32>
      %add3A_184 = arith.addi %mul3A_183, %select_n3A_181 : vector<4096x128xi32>
      %swap3A_185 = arith.constant 0 : index
      %swap3A_186 = arith.constant 0 : index
      %swap3A_187 = vector.load %arg5[%swap3A_185, %swap3A_186] : memref<4096x128xi32, #tpu.memory_space<vmem>>, vector<4096x128xi32>
      tpu.vector_store %arg5[%swap3A_185, %swap3A_186], %add3A_184 {strides = array<i32>} : memref<4096x128xi32, #tpu.memory_space<vmem>>, vector<4096x128xi32>,
      %mul3A_188 = arith.constant 16 : i32
      %mul3A_189 = vector.broadcast %mul3A_188 : i32 to vector<4096x128xi32>
      %mul3A_190 = arith.muli %select_n3A_159, %mul3A_189 : vector<4096x128xi32>
      %swap3A_191 = arith.constant 0 : index
      %swap3A_192 = arith.constant 0 : index
      %swap3A_193 = vector.load %arg6[%swap3A_191, %swap3A_192] : memref<4096x128xi32, #tpu.memory_space<vmem>>, vector<4096x128xi32>
      tpu.vector_store %arg6[%swap3A_191, %swap3A_192], %mul3A_190 {strides = array<i32>} : memref<4096x128xi32, #tpu.memory_space<vmem>>, vector<4096x128xi32>,
    } else {
    }
    return
  }
  func.func @transform_0(%arg0: i32) -> (i32, i32) {
    %c0_i32 = arith.constant 0 : i32
    %c0_i32_0 = arith.constant 0 : i32
    return %arg0, %c0_i32 : i32, i32
  }
  func.func @transform_1(%arg0: i32) -> (i32, i32) {
    %c0_i32 = arith.constant 0 : i32
    %c0_i32_0 = arith.constant 0 : i32
    %c0_i32_1 = arith.constant 0 : i32
    return %c0_i32, %c0_i32_0 : i32, i32
  }
  func.func @transform_2(%arg0: i32) -> (i32, i32) {
    %c0_i32 = arith.constant 0 : i32
    %c0_i32_0 = arith.constant 0 : i32
    %c0_i32_1 = arith.constant 0 : i32
    return %c0_i32, %c0_i32_0 : i32, i32
  }
  func.func @transform_3(%arg0: i32) -> (i32, i32) {
    %c0_i32 = arith.constant 0 : i32
    %c0_i32_0 = arith.constant 0 : i32
    return %arg0, %c0_i32 : i32, i32
  }
  func.func @transform_4(%arg0: i32) -> (i32, i32) {
    %c0_i32 = arith.constant 0 : i32
    %c0_i32_0 = arith.constant 0 : i32
    %c0_i32_1 = arith.constant 0 : i32
    return %c0_i32, %c0_i32_0 : i32, i32
  }
  func.func @transform_5(%arg0: i32) -> (i32, i32) {
    %c0_i32 = arith.constant 0 : i32
    %c0_i32_0 = arith.constant 0 : i32
    %c0_i32_1 = arith.constant 0 : i32
    return %c0_i32, %c0_i32_0 : i32, i32
  }
}

</mosaic_0001>

<sc_bundles>
// kernel: kernel.4.cloned.1.call-start
scs
__scs_entry_jumppad:
0x0: {  	(pc) =	sbr.rel $0x88, $3  }
0x1: {  	(tag) =	ssettag $0x0;
	lr =	simm.s32 $0x1  }
0x2: {  	[smem:$0x3F9B] =	sst lr;
	_ =	strace $0xD0000000  }
0x3: {  	_ = 	snop  }
0x4: {  	_ = 	snop  }
0x5: {  	_ = 	snop  }
0x6: {  	_ = 	snop  }
0x7: {  	_ = 	snop  }
__scs_overlays_trampoline_lowered:
0x8: {  	[smem:$0x3FAA] =	sst s0  }
0x9: {  	[smem:$0x3FAB] =	sst s1  }
0xa: {  	[smem:$0x3FAC] =	sst s2  }
0xb: {  	[smem:$0x3FAD] =	sst s3  }
0xc: {  	[smem:$0x3FAE] =	sst s4  }
0xd: {  	[smem:$0x3FAF] =	sst s5  }
0xe: {  	[smem:$0x3FB0] =	sst s6  }
0xf: {  	[smem:$0x3FB1] =	sst s7  }
0x10: {  	[smem:$0x3FB2] =	sst s8  }
0x11: {  	[smem:$0x3FB3] =	sst s9;
	s0 =	simm.s32 @!p0 $0x0  }
0x12: {  	s1 =	sld [smem:$0x3F99];
	s0 =	simm.s32 @p0 $0x1  }
0x13: {  	[smem:$0x3FB4] =	sst s0;
	s0 =	simm.s32 @!p1 $0x0  }
0x14: {  	s2 =	sld [smem:$0x3F98];
	s0 =	simm.s32 @p1 $0x1  }
0x15: {  	[smem:$0x3FB5] =	sst s0;
	s0 =	simm.s32 @!p2 $0x0  }
0x16: {  	s3 =	sld [smem:$0x3FDB];
	s0 =	simm.s32 @p2 $0x1  }
0x17: {  	s4 =	simm.s32 $0x1BF5;
	[smem:$0x3FB7] =	sst s0  }
0x18: {  	s0 =	sld [smem:$0x3F9A];
	_ =	swait.ge [sflag:s4], $0x0  }
0x19: {  	s7 =	sld [smem:$0x3F9B]  }
0x1a: {  	s8 =	sadd.s32 $0xFFFFE003, lr  }
0x1b: {  	s9 =	sadd.s32 $0xFFFFFEF7, lr;
	s5 =	simm.s32 $0xFFFFFFFF;
	p2 =	slt.u32 s8, $0xFFFFF086  }
0x1c: {  	p1 =	slt.u32 s9, $0xF7A;
	s5 =	simm.s32 @!p2 $0x0  }
0x1d: {  	s5 =	simm.s32 @p1 $0x1;
	p0 =	seq.s32 s7, s2  }
0x1e: {  	s7 =	smul.u32 @!p0 $0xF7A, s2;
	p2 =	seq.s32 @!p0 s5, $0x0  }
0x1f: {  	s9 =	smul.u32 $0xF7A, s1;
	s8 =	simm.s32 @!p0 $0x1BF5;
	p2 =	por !p2, p0  }
0x20: {  	[sflag:s8] =	ssyncset.s32 @!p0 $0xFFFFF086;
	s6 =	sadd.s32 @!p0 s3, s7;
	s7 =	simm.s32 @!p0 $0x108  }
0x21: {  	s3 =	sadd.s32 s3, s9;
	s6 =	sadd.s32 @!p0 $0x88, s6;
	s7 =	simm.s32 @p2 $0x1082  }
0x22: {  	[simem:s7], [sflag:s8] =	dma.local @!p0 [hbm:s6], $0xF7A  }
0x23: {  	s9 =	sor.u32 $0xD0000000, s2;
	s6 =	simm.s32 $0x108;
	_ =	swait.ge @!p0 [sflag:s8], $0x0  }
0x24: {  	s3 =	sadd.s32 $0x88, s3;
	s6 =	simm.s32 @!p1 $0x1082;
	[sflag:s4] =	ssyncset.s32 $0xFFFFF086  }
0x25: {  	[simem:s6], [sflag:s4] =	dma.local [hbm:s3], $0xF7A  }
0x26: {  	[smem:$0x3F9B] =	sst s1;
	(tag) =	ssettag s2;
	_ =	strace s9  }
0x27: {  	s1 =	sld [smem:$0x3FAB]  }
0x28: {  	s2 =	sld [smem:$0x3FAC]  }
0x29: {  	s4 =	sld [smem:$0x3FAE]  }
0x2a: {  	p0 =	seq.s32 s5, $0x0;
	s5 =	sld [smem:$0x3FAF]  }
0x2b: {  	s6 =	sld [smem:$0x3FB0]  }
0x2c: {  	s7 =	sld [smem:$0x3FB1]  }
0x2d: {  	s3 =	simm.s32 $0x108;
	s8 =	sld [smem:$0x3FB2]  }
0x2e: {  	s3 =	simm.s32 @!p0 $0x1082;
	s9 =	sld [smem:$0x3FB3]  }
0x2f: {  	lr =	sadd.s32 s0, s3;
	s0 =	sld [smem:$0x3FAA]  }
0x30: {  	s3 =	sld [smem:$0x3FAD]  }
0x31: {  	[smem:$0x3FB6] =	sst s10  }
0x32: {  	s10 =	sld [smem:$0x3FB4];
	_ =	sdelay $0x3  }
0x33: {  	p0 =	seq.s32 s10, $0x1;
	s10 =	sld [smem:$0x3FB6];
	_ =	sdelay $0x3  }
0x34: {  	[smem:$0x3FB6] =	sst s10  }
0x35: {  	s10 =	sld [smem:$0x3FB5];
	_ =	sdelay $0x3  }
0x36: {  	p1 =	seq.s32 s10, $0x1;
	s10 =	sld [smem:$0x3FB6];
	_ =	sdelay $0x3  }
0x37: {  	[smem:$0x3FB6] =	sst s10  }
0x38: {  	s10 =	sld [smem:$0x3FB7]  }
0x39: {  	_ = 	snop;
	(pc) =	sbr.ind lr, $3  }
0x3a: {  	_ = 	snop  }
0x3b: {  	_ = 	snop  }
0x3c: {  	p2 =	seq.s32 s10, $0x1;
	s10 =	sld [smem:$0x3FB6]  }
0x3d: {  	_ =	shalt  }
0x3e: {  	_ =	shalt  }
0x3f: {  	_ =	shalt  }
0x40: {  	_ =	shalt  }
0x41: {  	_ =	shalt  }
0x42: {  	_ =	shalt  }
0x43: {  	_ =	shalt  }
0x44: {  	_ =	shalt  }
0x45: {  	_ =	shalt  }
0x46: {  	_ =	shalt  }
0x47: {  	_ =	shalt  }
0x48: {  	_ =	shalt  }
0x49: {  	_ =	shalt  }
0x4a: {  	_ =	shalt  }
0x4b: {  	_ =	shalt  }
0x4c: {  	_ =	shalt  }
0x4d: {  	_ =	shalt  }
0x4e: {  	_ =	shalt  }
0x4f: {  	_ =	shalt  }
0x50: {  	_ =	shalt  }
0x51: {  	_ =	shalt  }
0x52: {  	_ =	shalt  }
0x53: {  	_ =	shalt  }
0x54: {  	_ =	shalt  }
0x55: {  	_ =	shalt  }
0x56: {  	_ =	shalt  }
0x57: {  	_ =	shalt  }
0x58: {  	_ =	shalt  }
0x59: {  	_ =	shalt  }
0x5a: {  	_ =	shalt  }
0x5b: {  	_ =	shalt  }
0x5c: {  	_ =	shalt  }
0x5d: {  	_ =	shalt  }
0x5e: {  	_ =	shalt  }
0x5f: {  	_ =	shalt  }
0x60: {  	_ =	shalt  }
0x61: {  	_ =	shalt  }
0x62: {  	_ =	shalt  }
0x63: {  	_ =	shalt  }
0x64: {  	_ =	shalt  }
0x65: {  	_ =	shalt  }
0x66: {  	_ =	shalt  }
0x67: {  	_ =	shalt  }
0x68: {  	_ =	shalt  }
0x69: {  	_ =	shalt  }
0x6a: {  	_ =	shalt  }
0x6b: {  	_ =	shalt  }
0x6c: {  	_ =	shalt  }
0x6d: {  	_ =	shalt  }
0x6e: {  	_ =	shalt  }
0x6f: {  	_ =	shalt  }
0x70: {  	_ =	shalt  }
0x71: {  	_ =	shalt  }
0x72: {  	_ =	shalt  }
0x73: {  	_ =	shalt  }
0x74: {  	_ =	shalt  }
0x75: {  	_ =	shalt  }
0x76: {  	_ =	shalt  }
0x77: {  	_ =	shalt  }
0x78: {  	_ =	shalt  }
0x79: {  	_ =	shalt  }
0x7a: {  	_ =	shalt  }
0x7b: {  	_ =	shalt  }
0x7c: {  	_ =	shalt  }
0x7d: {  	_ =	shalt  }
0x7e: {  	_ =	shalt  }
0x7f: {  	_ =	shalt  }
0x80: {  	_ =	shalt  }
0x81: {  	_ =	shalt  }
0x82: {  	_ =	shalt  }
0x83: {  	_ =	shalt  }
0x84: {  	_ =	shalt  }
0x85: {  	_ =	shalt  }
0x86: {  	_ =	shalt  }
0x87: {  	_ =	shalt  }
.Lfunc_end0:
.L_simem_size_0:
called_computation_lowered:
.L_overlay_start_0:
0x88: {  	s2 =	sld [smem:$0x3FD9]  }
0x89: {  	s3 =	sld [smem:$0x3FFE];
	_ =	sdelay $0x1  }
0x8a: {  	s1 =	srdreg.scid  }
0x8b: {  	s0 =	sand.u32 $0x1, s1  }
0x8c: {  	s17 =	sshll.u32 s0, $0xA;
	s2 =	sadd.s32 s3, s2  }
0x8d: {  	s2 =	sadd.s32 s2, s17  }
0x8e: {  	[smem:$0x3FC2] =	sst s2  }
0x8f: {  	_ = 	snop  }
0x90: {  	s2 =	sld [smem:$0x3FC6]  }
0x91: {  	s18 =	sld [smem:$0x3FD0];
	(tm) =	ssettm $0x1  }
0x92: {  	s4 =	sld [smem:$0x3FFB];
	_ =	sdelay $0x3  }
0x93: {  	_ =	strace s4  }
0x94: {  	s4 =	sld [smem:$0x3FFC];
	_ =	sdelay $0x3  }
0x95: {  	_ =	strace s4  }
0x96: {  	s4 =	sld [smem:$0x3FFD];
	_ =	sdelay $0x3  }
0x97: {  	_ =	strace s4  }
0x98: {  	_ =	strace $0x8FFFFFFF  }
0x99: {  	s19 =	sld [smem:$0x3FDB];
	_ =	sdelay $0x1  }
0x9a: {  	s5 =	simm.s32 $_scs_section_size  }
0x9b: {  	s6 =	simm.s32 $_size__tile_overlayer_lowered;
	s7 =	simm.s32 $_tile_overlayer_lowered  }
0x9c: {  	s22 =	simm.s32 $0x1BFF;
	s21 =	sshll.u32 s7, $0x1;
	s4 =	sadd.s32 s5, s19  }
0x9d: {  	s8 =	simm.s32 $0x0;
	s20 =	sshll.u32 s6, $0x1;
	s6 =	sadd.s32 s21, s4  }
0x9e: {  	[timem:s8], [sflag:s22] =	dma.local [hbm:s6], s20  }
0x9f: {  	_ =	swait.ge [sflag:s22], s20  }
0xa0: {  	s5 =	ssub.s32 $0x0, s20;
	[sflag:s22] =	ssyncset.done $0x0  }
0xa1: {  	[sflag:s22] =	ssyncadd.s32 s5;
	_ =	sdelay $0x1  }
0xa2: {  	s23 =	simm.s32 $0x1B8B  }
0xa3: {  	_ =	swait.ge [sflag:s23], $0x1  }
0xa4: {  	[sflag:s23] =	ssyncset.done $0x0  }
0xa5: {  	s25 =	simm.s32 $0x1B8E;
	s24 =	sld [smem:$0x3FFE];
	[sflag:s23] =	ssyncadd.s32 $0xFFFFFFFF  }
0xa6: {  	s26 =	simm.s32 $execute0_lowered;
	[smem:$0x3FD2] =	sst s25  }
0xa7: {  	s6 =	sshll.u32 s26, $0x1;
	_ =	strace $0x80000046;
	[dreg:$0x1] =	wrdreg $0xFFFFFFFF  }
0xa8: {  	s28 =	simm.s32 $_size_execute0_lowered;
	s4 =	sadd.s32 s4, s6;
	[dreg:$0x0] =	wrdreg $0x0  }
0xa9: {  	s6 =	sshll.u32 s28, $0x1;
	[dreg:$0x2] =	wrdreg s4  }
0xaa: {  	[dreg:$0x3] =	wrdreg s6  }
0xab: {  	[dreg:$0x4] =	wrdreg $0xC0  }
0xac: {  	_ =	task [dreg:s8], $0x5FFFF  }
0xad: {  	[dreg:$0x1] =	wrdreg $0xFFFFFFFF  }
0xae: {  	[dreg:$0x0] =	wrdreg $0x60  }
0xaf: {  	[dreg:$0x2] =	wrdreg s24  }
0xb0: {  	[dreg:$0x3] =	wrdreg s2  }
0xb1: {  	[dreg:$0x4] =	wrdreg s18  }
0xb2: {  	[dreg:$0x5] =	wrdreg $0x9  }
0xb3: {  	_ =	task.clear_ibuf [dreg:s8], $0x6FFFF;
	_ =	strace $0x90000046  }
0xb4: {  	s29 =	simm.s32 $0x9;
	_ =	strace $0x80000048  }
0xb5: {  	_ =	swait.ge [sflag:s29], $0x1  }
0xb6: {  	[sflag:s29] =	ssyncadd.s32 $0xFFFFFFFF  }
0xb7: {  	_ =	strace $0x90000048  }
0xb8: {  	_ =	sfence  }
0xb9: {  	s30 =	sld [smem:$0x0];
	_ =	sdelay $0x2  }
0xba: {  	s31 =	sshll.u32 s1, $0xD;
	s1 =	sshrl.u32 s1, $0x2  }
0xbb: {  	s3 =	sand.u32 $0x4000, s31;
	s1 =	sadd.s32 s1, s30  }
0xbc: {  	s0 =	sor.u32 s3, s0;
	s1 =	sshll.u32 s1, $0x11  }
0xbd: {  	s0 =	sor.u32 s1, s0  }
0xbe: {  	s0 =	sadd.s32 $0x8F2B, s0  }
0xbf: {  	[sflag:s0] =	ssyncadd.remote.s32 $0x1  }
0xc0: {  	_ =	sfence.sel $0xFFFF  }
0xc1: {  	[dreg:$0x0] =	wrdreg $0xFFFFFFFF;
	(pc) =	sbr.abs _section_cstart, $3  }
0xc2: {  	[dreg:$0x1] =	wrdreg $0xFFFFFFFF  }
0xc3: {  	_ =	task.clear_ibuf [dreg:s8], $0x2FFFF;
	_ =	strace $0x9FFFFFFF  }
0xc4: {  	(tm) =	ssettm $0x7FFFFFFF  }
0xc5: {  	_ =	shalt  }
tec
execute0_lowered:
.L_overlay_start_1:
0x0: {  	(tag) =	ssettag $0x1  }
0x1: {  	s0 =	rddreg [dreg:$0x0]  }
0x2: {  	s1 =	rddreg [dreg:$0x2]  }
0x3: {  	s2 =	srdreg.scid;
	s4 =	stileid.u32;
	s3 =	simm.s32 $0x0  }
0x4: {  	s11 =	simm.s32 $0x5;
	s15 =	simm.s32 $0x80;
	s16 =	simm.s32 $0x8000  }
0x5: {  	s17 =	simm.s32 $0xC000;
	s19 =	simm.s32 $0x10000;
	s21 =	simm.s32 $0x14000  }
0x6: {  	s22 =	simm.s32 $0x1;
	s23 =	simm.s32 $0x2;
	s24 =	simm.s32 $0x3  }
0x7: {  	s25 =	simm.s32 $0x4;
	s28 =	simm.s32 $0x19100;
	s29 =	simm.s32 $0x19900  }
0x8: {  	s30 =	simm.s32 $0x0;
	s2 =	sand.u32 $0x1, s2;
	s4 =	sshll.u32 s4, $0x1  }
0x9: {  	[smem:$0x7FF] =	sst s3;
	s5 =	sadd.s32 $0x21000, s0;
	s6 =	sadd.s32 $0x21200, s0  }
.Ltmp0:
0xa: {  	s9 =	sor.u32 s2, s4;
	s2 =	ssub.s32 $0x2, s2;
	(pc) =	sbr.rel .LBB2_1-.Ltmp0, $4  }
0xb: {  	_ =	strace $0x80000047;
	s4 =	sshll.u32 s9, $0xB;
	s7 =	sshrl.u32 s2, $0x1  }
0xc: {  	s31 =	sshll.u32 s9, $0x2;
	s8 =	sadd.s32 s4, s0;
	s4 =	sadd.s32 $0x2DC8600, s0  }
0xd: {  	v0 =	vlaneseq.u32;
	s26 =	ssub.s32 s2, s7;
	s9 =	sadd.s32 s1, s31;
	s7 =	sadd.s32 $0x1000, s8  }
0xe: {  	v0 =	vmul.u32 $0x80, v0;
	s8 =	sadd.s32 $0x11000, s8;
	s10 =	smax.u32 s26, $0x1;
	s26 =	simm.s32 $0x18000  }
.LBB2_13:
0xf: {  	s30 =	sadd.s32 $0x1, s30  }
0x10: {  	p0 =	sne.s32 s30, s10  }
.Ltmp1:
0x11: {  	_ = 	snop;
	(pc) =	sbr.rel @!p0 .LBB2_14-.Ltmp1, $4  }
0x12: {  	[hbm4b:s9+s3] =	stream.linear.scatter [tilespmem:s29], [sflag:$0x5], $0x20, $0x38;
	[tilespmem:$0x19980] =	vst v63  }
0x13: {  	_ =	swait.ge [sflag:s11], $0x20  }
0x14: {  	[sflag:s11] =	ssyncset.done $0x0  }
0x15: {  	[sflag:s11] =	ssyncadd.s32 $0xFFFFFFE0  }
.LBB2_1:
0x16: {  	[tilespmem:s3], [sflag:$0x5] =	stream.linear.gather [hbm4b:s7+s3], $0x4000, $0x38;
	[tilespmem:$0x19980] =	vst v63  }
0x17: {  	_ =	swait.ge [sflag:s11], $0x4000  }
0x18: {  	[sflag:s11] =	ssyncset.done $0x0  }
0x19: {  	s31 =	simm.s32 $0x4000;
	[sflag:s11] =	ssyncadd.s32 $0xFFFFC000  }
0x1a: {  	[tilespmem:s31], [sflag:$0x5] =	stream.linear.gather [hbm4b:s8+s3], $0x4000, $0x38;
	[tilespmem:$0x19980] =	vst v63  }
0x1b: {  	_ =	swait.ge [sflag:s11], $0x4000  }
0x1c: {  	[sflag:s11] =	ssyncset.done $0x0  }
0x1d: {  	[sflag:s11] =	ssyncadd.s32 $0xFFFFC000  }
0x1e: {  	s1 =	simm.s32 $0x18800;
	s0 =	rddreg [dreg:$0x1]  }
0x1f: {  	[tilespmem:s1], [sflag:$0x5] =	stream.linear.gather [hbm4b:s0+s3], $0x80, $0x38;
	[tilespmem:$0x19980] =	vst v63  }
0x20: {  	_ =	swait.ge [sflag:s11], $0x80  }
0x21: {  	[sflag:s11] =	ssyncset.done $0x0  }
0x22: {  	s13 =	simm.s32 $0x18880;
	[sflag:s11] =	ssyncadd.s32 $0xFFFFFF80  }
0x23: {  	[tilespmem:s13], [sflag:$0x5] =	stream.linear.gather [hbm4b:s5+s3], $0x800, $0x38;
	[tilespmem:$0x19980] =	vst v63  }
0x24: {  	_ =	swait.ge [sflag:s11], $0x800  }
0x25: {  	[sflag:s11] =	ssyncset.done $0x0  }
0x26: {  	s14 =	simm.s32 $0x19080;
	[sflag:s11] =	ssyncadd.s32 $0xFFFFF800  }
0x27: {  	[tilespmem:s14], [sflag:$0x5] =	stream.linear.gather [hbm4b:s6+s3], $0x80, $0x38;
	[tilespmem:$0x19980] =	vst v63  }
0x28: {  	_ =	swait.ge [sflag:s11], $0x80  }
0x29: {  	[sflag:s11] =	ssyncset.done $0x0  }
0x2a: {  	[sflag:s11] =	ssyncadd.s32 $0xFFFFFF80  }
0x2b: {  	[tilespmem:s16], [sflag:$0x1] =	stream.indirect.gather [hbm4b:s4+s15], $0x80, s3, s15, $0xb8;
	[tilespmem:$0x19980] =	vst v63  }
0x2c: {  	_ = 	snop  }
0x2d: {  	[tilespmem:s17], [sflag:$0x2] =	stream.indirect.gather [hbm4b:s4+s15], $0x80, s15, s15, $0xb8;
	[tilespmem:$0x19980] =	vst v63  }
.Ltmp2:
0x2e: {  	_ = 	snop;
	(pc) =	sbr.rel .LBB2_2-.Ltmp2, $4  }
0x2f: {  	s18 =	simm.s32 $0x100;
	s20 =	simm.s32 $0x180;
	s2 =	simm.s32 $0x4180  }
0x30: {  	[tilespmem:s19], [sflag:$0x3] =	stream.indirect.gather [hbm4b:s4+s15], $0x80, s18, s15, $0xb8;
	[tilespmem:$0x19980] =	vst v63  }
0x31: {  	s12 =	simm.s32 $0x0;
	s0 =	simm.s32 $0x4080;
	s1 =	simm.s32 $0x4100  }
0x32: {  	[tilespmem:s21], [sflag:$0x4] =	stream.indirect.gather [hbm4b:s4+s15], $0x80, s20, s15, $0xb8;
	[tilespmem:$0x19980] =	vst v63  }
.LBB2_12:
0x33: {  	s12 =	sadd.s32 $0x1, s12  }
0x34: {  	p0 =	sne.s32 s12, $0x20  }
.Ltmp3:
0x35: {  	_ = 	snop;
	(pc) =	sbr.rel @!p0 .LBB2_13-.Ltmp3, $3  }
0x36: {  	_ =	sdelay $0x1  }
0x37: {  	s31 =	sadd.s32 $0x200, s31  }
0x38: {  	s0 =	sadd.s32 $0x200, s0;
	s1 =	sadd.s32 $0x200, s1;
	s2 =	sadd.s32 $0x200, s2  }
.LBB2_2:
0x39: {  	_ =	swait.ge [sflag:s22], $0x4000;
	s13 =	sshll.u32 s12, $0xB;
	p0 =	seq.s32 s12, $0x1F  }
0x3a: {  	[sflag:s22] =	ssyncset.done $0x0;
	s13 =	sshrl.u32 @!p0 s13, $0x2;
	s18 =	simm.s32 @!p0 $0x80  }
0x3b: {  	s20 =	simm.s32 @!p0 $0x8000;
	[sflag:s22] =	ssyncadd.s32 $0xFFFFC000;
	s14 =	sadd.s32 @!p0 $0x200, s13  }
0x3c: {  	[tilespmem:s20], [sflag:$0x1] =	stream.indirect.gather @!p0 [hbm4b:s4+s18], $0x80, s14, s18, $0xb8;
	[tilespmem:$0x19980] =	vst v63  }
0x3d: {  	v1 =	vld [tilespmem:s31+$0x0]  }
0x3e: {  	s20 =	simm.s32 $0x0  }
0x3f: {  	v2 =	vmov s20  }
0x40: {  	v2 =	vshll.u32 v2, $0x7  }
0x41: {  	v3 =	vimm.f32 $0.0e+00;
	v4 =	vor.u32 v0, v2  }
0x42: {  	v6 =	vand.u32 $0x7F, v1;
	v2 =	vadd.s32 $0xC, v1;
	v7 =	vadd.s32 $0xF, v1  }
0x43: {  	v8 =	vadd.s32 $0x1, v1;
	v5 =	vadd.s32 $0xA, v1;
	v9 =	vadd.s32 $0xD, v1  }
0x44: {  	v10 =	vadd.s32 $0x7, v1;
	v11 =	vadd.s32 $0x8, v1;
	v14 =	vadd.s32 $0x9, v1  }
0x45: {  	v15 =	vand.u32 $0xFFFFFF80, v1;
	v16 =	vadd.s32 $0x2, v1;
	v17 =	vadd.s32 $0x3, v1  }
0x46: {  	v18 =	vadd.s32 $0x5, v1;
	v27 =	vadd.s32 $0xE, v1;
	v12 =	vand.u32 $0xFFFFFF80, v9  }
0x47: {  	v13 =	vand.u32 $0x7F, v8;
	v9 =	vand.u32 $0x7F, v9;
	v21 =	vand.u32 $0xFFFFFF80, v7  }
0x48: {  	v22 =	vadd.s32 v4, v15;
	v15 =	vadd.s32 $0x4, v1;
	v20 =	vand.u32 $0xFFFFFF80, v17  }
0x49: {  	v19 =	vand.u32 $0x7F, v17;
	v23 =	vand.u32 $0xFFFFFF80, v18;
	v25 =	vand.u32 $0xFFFFFF80, v16  }
0x4a: {  	v16 =	vand.u32 $0x7F, v16;
	v30 =	vand.u32 $0xFFFFFF80, v11;
	v11 =	vand.u32 $0x7F, v11  }
0x4b: {  	v32 =	vand.u32 $0xFFFFFF80, v5;
	v8 =	vand.u32 $0xFFFFFF80, v8;
	v29 =	vand.u32 $0xFFFFFF80, v2  }
0x4c: {  	v26 =	vand.u32 $0x7F, v2;
	v38 =	vand.u32 $0x7F, v7;
	v7 =	vimm.f32 $0.0e+00  }
0x4d: {  	v12 =	vadd.s32 v4, v12;
	v17 =	vand.u32 $0xFFFFFF80, v15;
	v24 =	vadd.s32 v4, v23  }
0x4e: {  	v23 =	vadd.s32 v4, v25;
	v15 =	vand.u32 $0x7F, v15;
	v25 =	vand.u32 $0x7F, v18  }
0x4f: {  	v18 =	vand.u32 $0xFFFFFF80, v27;
	v8 =	vadd.s32 v4, v8;
	v35 =	vadd.s32 v4, v20  }
0x50: {  	v36 =	vadd.s32 v4, v32;
	v20 =	vimm.f32 $0.0e+00;
	v17 =	vadd.s32 v4, v17  }
0x51: {  	v16 =	vor.u32 v16, v23;
	v23 =	vand.u32 $0xFFFFFF80, v10;
	v9 =	vor.u32 v9, v12  }
0x52: {  	v10 =	vand.u32 $0x7F, v10;
	v33 =	vor.u32 v13, v8;
	v13 =	vimm.f32 $0.0e+00  }
0x53: {  	v15 =	vor.u32 v15, v17;
	v17 =	vadd.s32 v4, v18;
	v18 =	vadd.s32 $0xB, v1  }
0x54: {  	v23 =	vadd.s32 v4, v23;
	v1 =	vadd.s32 $0x6, v1;
	v12 =	vand.u32 $0xFFFFFF80, v18  }
0x55: {  	v10 =	vor.u32 v10, v23;
	v23 =	vand.u32 $0xFFFFFF80, v14;
	v14 =	vand.u32 $0x7F, v14  }
0x56: {  	v18 =	vand.u32 $0x7F, v18;
	v8 =	vand.u32 $0xFFFFFF80, v1;
	v23 =	vadd.s32 v4, v23  }
0x57: {  	v28 =	vand.u32 $0x7F, v1;
	v12 =	vadd.s32 v4, v12;
	v14 =	vor.u32 v14, v23;
	v16 =	vld.idx.msk [tilespmem:v16+s16+$0x0], $0xffff  }
0x58: {  	v31 =	vadd.s32 v4, v8;
	v8 =	vadd.s32 v4, v30;
	v23 =	vor.u32 v18, v12;
	v15 =	vld.idx.msk [tilespmem:v15+s16+$0x0], $0xffff  }
0x59: {  	v12 =	vand.u32 $0x7F, v27;
	v34 =	vor.u32 v11, v8;
	v18 =	vimm.f32 $0.0e+00  }
0x5a: {  	v8 =	vimm.f32 $0.0e+00;
	v11 =	vimm.f32 $0.0e+00;
	v37 =	vor.u32 v12, v17;
	v27 =	vld.idx.msk [tilespmem:v10+s16+$0x0], $0xffff  }
0x5b: {  	v30 =	vld.idx.msk [tilespmem:v9+s16+$0x0], $0xffff;
	v12 =	vimm.f32 $0.0e+00;
	v9 =	vimm.f32 $0.0e+00;
	v17 =	vimm.f32 $0.0e+00  }
0x5c: {  	v10 =	vimm.f32 $0.0e+00;
	v32 =	vld.idx.msk [tilespmem:v14+s16+$0x0], $0xffff;
	v14 =	vimm.f32 $0.0e+00;
	v2 =	vadd.f32 v16, v3  }
0x5d: {  	s14 =	simm.s32 $0x10;
	s18 =	sadd.s32 $0x10, s31;
	v33 =	vld.idx.msk [tilespmem:v33+s16+$0x0], $0xffff;
	v16 =	vimm.f32 $0.0e+00;
	v1 =	vadd.f32 v15, v3;
	v15 =	vimm.f32 $0.0e+00  }
.LBB2_3:
0x5e: {  	p1 =	sne.s32 s14, $0x70;
	v6 =	vor.u32 v6, v22;
	v22 =	vadd.s32 v4, v29;
	v4 =	vadd.s32 v4, v21;
	s20 =	smov.u32 s14;
	s14 =	sadd.s32 $0x10, s14  }
0x5f: {  	v3 =	vadd.f32 v27, v3;
	v29 =	vld [tilespmem:s18+$0x0];
	v26 =	vor.u32 v26, v22;
	v21 =	vor.u32 v38, v4  }
0x60: {  	v4 =	vmov s20;
	v22 =	vor.u32 v25, v24;
	v18 =	vadd.f32 v30, v18  }
0x61: {  	v27 =	vor.u32 v28, v31;
	v4 =	vshll.u32 v4, $0x7;
	v8 =	vadd.f32 v32, v8;
	v24 =	vld.idx.msk [tilespmem:v37+s16+$0x0], $0xffff  }
0x62: {  	v5 =	vand.u32 $0x7F, v5;
	v4 =	vor.u32 v0, v4;
	v28 =	vld.idx.msk [tilespmem:v34+s16+$0x0], $0xffff  }
0x63: {  	v19 =	vor.u32 v19, v35;
	v25 =	vor.u32 v5, v36;
	v11 =	vadd.f32 v33, v11;
	v30 =	vld.idx.msk [tilespmem:v6+s16+$0x0], $0xffff  }
0x64: {  	v6 =	vand.u32 $0x7F, v29;
	v31 =	vadd.s32 $0xC, v29;
	v38 =	vadd.s32 $0xF, v29;
	v32 =	vld.idx.msk [tilespmem:v21+s16+$0x0], $0xffff  }
0x65: {  	v33 =	vadd.s32 $0x1, v29;
	v5 =	vadd.s32 $0xA, v29;
	v21 =	vadd.s32 $0xD, v29;
	v34 =	vld.idx.msk [tilespmem:v22+s16+$0x0], $0xffff  }
0x66: {  	v35 =	vadd.s32 $0x7, v29;
	v36 =	vadd.s32 $0x8, v29;
	v22 =	vand.u32 $0xFFFFFF80, v21  }
0x67: {  	v37 =	vand.u32 $0x7F, v33;
	v39 =	vand.u32 $0x7F, v21;
	v21 =	vand.u32 $0xFFFFFF80, v38  }
0x68: {  	v40 =	vadd.s32 $0x9, v29;
	v41 =	vadd.s32 v4, v22;
	v7 =	vadd.f32 v24, v7;
	v42 =	vld.idx.msk [tilespmem:v25+s16+$0x0], $0xffff  }
0x69: {  	v43 =	vadd.s32 $0x2, v29;
	v22 =	vand.u32 $0xFFFFFF80, v29;
	v24 =	vadd.s32 $0x3, v29;
	v44 =	vld.idx.msk [tilespmem:v19+s16+$0x0], $0xffff  }
0x6a: {  	v45 =	vadd.s32 $0x4, v29;
	v22 =	vadd.s32 v4, v22;
	v25 =	vadd.s32 $0x5, v29  }
0x6b: {  	v46 =	vand.u32 $0xFFFFFF80, v24;
	v19 =	vand.u32 $0x7F, v24;
	v12 =	vadd.f32 v34, v12  }
0x6c: {  	v47 =	vadd.s32 $0xE, v29;
	v24 =	vand.u32 $0xFFFFFF80, v45;
	v34 =	vand.u32 $0xFFFFFF80, v25  }
0x6d: {  	v48 =	vadd.s32 v4, v24;
	v24 =	vadd.s32 v4, v34;
	v34 =	vand.u32 $0xFFFFFF80, v36  }
0x6e: {  	v49 =	vand.u32 $0xFFFFFF80, v43;
	v50 =	vand.u32 $0xFFFFFF80, v47;
	v25 =	vand.u32 $0x7F, v25;
	v27 =	vld.idx.msk [tilespmem:v27+s16+$0x0], $0xffff  }
0x6f: {  	v43 =	vand.u32 $0x7F, v43;
	v49 =	vadd.s32 v4, v49;
	v50 =	vadd.s32 v4, v50  }
0x70: {  	v43 =	vor.u32 v43, v49;
	v49 =	vadd.s32 $0xB, v29;
	v9 =	vadd.f32 v30, v9  }
0x71: {  	v30 =	vand.u32 $0x7F, v45;
	v45 =	vand.u32 $0xFFFFFF80, v35;
	v36 =	vand.u32 $0x7F, v36;
	v23 =	vld.idx.msk [tilespmem:v23+s16+$0x0], $0xffff  }
0x72: {  	v39 =	vor.u32 v39, v41;
	v30 =	vor.u32 v30, v48;
	v48 =	vand.u32 $0xFFFFFF80, v5;
	v41 =	vld.idx.msk [tilespmem:v26+s16+$0x0], $0xffff  }
0x73: {  	v10 =	vadd.f32 v32, v10;
	v26 =	vand.u32 $0x7F, v35;
	v35 =	vand.u32 $0xFFFFFF80, v49  }
0x74: {  	v32 =	vadd.s32 v4, v45;
	v35 =	vadd.s32 v4, v35;
	v14 =	vadd.f32 v27, v14  }
0x75: {  	v45 =	vadd.s32 $0x6, v29;
	v26 =	vor.u32 v26, v32;
	v27 =	vand.u32 $0xFFFFFF80, v40;
	v43 =	vld.idx.msk [tilespmem:v43+s16+$0x0], $0xffff  }
0x76: {  	v15 =	vadd.f32 v28, v15;
	v29 =	vand.u32 $0x7F, v40;
	v27 =	vadd.s32 v4, v27  }
0x77: {  	v28 =	vand.u32 $0xFFFFFF80, v33;
	v32 =	vor.u32 v29, v27;
	v13 =	vadd.f32 v23, v13;
	v33 =	vld.idx.msk [tilespmem:v30+s16+$0x0], $0xffff  }
0x78: {  	v20 =	vadd.f32 v42, v20;
	v27 =	vand.u32 $0x7F, v49;
	v23 =	vadd.s32 v4, v28  }
0x79: {  	v16 =	vadd.f32 v44, v16;
	v40 =	vor.u32 v37, v23;
	v23 =	vor.u32 v27, v35  }
.Ltmp4:
0x7a: {  	v29 =	vand.u32 $0xFFFFFF80, v31;
	v17 =	vadd.f32 v41, v17;
	v27 =	vld.idx.msk [tilespmem:v26+s16+$0x0], $0xffff;
	v26 =	vand.u32 $0x7F, v31;
	(pc) =	sbr.rel @p1 .LBB2_3-.Ltmp4, $4  }
0x7b: {  	v28 =	vand.u32 $0x7F, v45;
	v2 =	vadd.f32 v43, v2;
	v31 =	vand.u32 $0xFFFFFF80, v45;
	v30 =	vld.idx.msk [tilespmem:v39+s16+$0x0], $0xffff  }
0x7c: {  	v34 =	vadd.s32 v4, v34;
	v35 =	vand.u32 $0x7F, v47;
	v31 =	vadd.s32 v4, v31;
	v32 =	vld.idx.msk [tilespmem:v32+s16+$0x0], $0xffff  }
0x7d: {  	v34 =	vor.u32 v36, v34;
	v37 =	vor.u32 v35, v50;
	v1 =	vadd.f32 v33, v1  }
0x7e: {  	s18 =	sadd.s32 $0x10, s18;
	v38 =	vand.u32 $0x7F, v38;
	v36 =	vadd.s32 v4, v48;
	v35 =	vadd.s32 v4, v46;
	v33 =	vld.idx.msk [tilespmem:v40+s16+$0x0], $0xffff  }
0x7f: {  	_ =	sdelay $0x1  }
0x80: {  	v6 =	vor.u32 v6, v22  }
0x81: {  	v22 =	vor.u32 v25, v24  }
0x82: {  	v24 =	vld.idx.msk [tilespmem:v37+s16+$0x0], $0xffff;
	v19 =	vor.u32 v19, v35  }
0x83: {  	v21 =	vadd.s32 v4, v21;
	v25 =	vld.idx.msk [tilespmem:v34+s16+$0x0], $0xffff;
	v28 =	vor.u32 v28, v31  }
0x84: {  	v5 =	vand.u32 $0x7F, v5;
	v23 =	vld.idx.msk [tilespmem:v23+s16+$0x0], $0xffff;
	v21 =	vor.u32 v38, v21  }
0x85: {  	v4 =	vadd.s32 v4, v29;
	v5 =	vor.u32 v5, v36;
	v31 =	vld.idx.msk [tilespmem:v6+s16+$0x0], $0xffff  }
0x86: {  	v4 =	vor.u32 v26, v4;
	v22 =	vld.idx.msk [tilespmem:v22+s16+$0x0], $0xffff  }
0x87: {  	v19 =	vld.idx.msk [tilespmem:v19+s16+$0x0], $0xffff  }
0x88: {  	v28 =	vld.idx.msk [tilespmem:v28+s16+$0x0], $0xffff  }
0x89: {  	v21 =	vld.idx.msk [tilespmem:v21+s16+$0x0], $0xffff  }
0x8a: {  	v26 =	vld.idx.msk [tilespmem:v5+s16+$0x0], $0xffff  }
0x8b: {  	v29 =	vld.idx.msk [tilespmem:v4+s16+$0x0], $0xffff;
	_ =	swait.ge [sflag:s23], $0x4000  }
0x8c: {  	s14 =	sadd.s32 @!p0 $0x280, s13;
	[sflag:s23] =	ssyncset.done $0x0  }
0x8d: {  	v3 =	vadd.f32 v27, v3;
	s18 =	simm.s32 @!p0 $0x80;
	s20 =	simm.s32 @!p0 $0xC000;
	v6 =	vadd.f32 v33, v11;
	[sflag:s23] =	ssyncadd.s32 $0xFFFFC000  }
0x8e: {  	v7 =	vadd.f32 v24, v7;
	v13 =	vadd.f32 v23, v13;
	[tilespmem:s20], [sflag:$0x2] =	stream.indirect.gather @!p0 [hbm4b:s4+s18], $0x80, s14, s18, $0xb8;
	[tilespmem:$0x19980] =	vst v63  }
0x8f: {  	v4 =	vadd.f32 v30, v18;
	v5 =	vadd.f32 v32, v8;
	v27 =	vld [tilespmem:s0+$0x0]  }
0x90: {  	v8 =	vadd.f32 v22, v12;
	v9 =	vadd.f32 v31, v9  }
0x91: {  	s20 =	simm.s32 $0x0;
	v11 =	vadd.f32 v28, v14;
	v12 =	vadd.f32 v25, v15  }
0x92: {  	v18 =	vmov s20;
	v15 =	vadd.f32 v19, v16;
	v10 =	vadd.f32 v21, v10  }
0x93: {  	v14 =	vadd.f32 v26, v20;
	v16 =	vadd.f32 v29, v17;
	v17 =	vshll.u32 v18, $0x7  }
0x94: {  	v17 =	vor.u32 v0, v17;
	v19 =	vand.u32 $0x7F, v27;
	v26 =	vadd.s32 $0xC, v27  }
0x95: {  	v52 =	vadd.s32 $0xF, v27;
	v23 =	vadd.s32 $0x1, v27;
	v18 =	vadd.s32 $0xA, v27  }
0x96: {  	v20 =	vadd.s32 $0xD, v27;
	v28 =	vadd.s32 $0x7, v27;
	v29 =	vadd.s32 $0x8, v27  }
0x97: {  	v53 =	vadd.s32 $0x9, v27;
	v24 =	vadd.s32 $0x2, v27;
	v25 =	vadd.s32 $0x3, v27  }
0x98: {  	v55 =	vadd.s32 $0x4, v27;
	v56 =	vadd.s32 $0x5, v27;
	v39 =	vadd.s32 $0xE, v27  }
0x99: {  	v42 =	vadd.s32 $0xB, v27;
	v22 =	vand.u32 $0xFFFFFF80, v20;
	v30 =	vand.u32 $0x7F, v23  }
0x9a: {  	v31 =	vand.u32 $0x7F, v20;
	v21 =	vand.u32 $0xFFFFFF80, v52;
	v20 =	vand.u32 $0xFFFFFF80, v27  }
0x9b: {  	v57 =	vand.u32 $0xFFFFFF80, v25;
	v58 =	vand.u32 $0xFFFFFF80, v56;
	v40 =	vand.u32 $0xFFFFFF80, v24  }
0x9c: {  	v59 =	vand.u32 $0xFFFFFF80, v29;
	v60 =	vand.u32 $0xFFFFFF80, v39;
	v34 =	vand.u32 $0x7F, v55  }
0x9d: {  	v61 =	vand.u32 $0xFFFFFF80, v28;
	v29 =	vand.u32 $0x7F, v29;
	v54 =	vadd.s32 v17, v22  }
0x9e: {  	v22 =	vadd.s32 v17, v20;
	v20 =	vand.u32 $0x7F, v25;
	v25 =	vand.u32 $0xFFFFFF80, v55  }
0x9f: {  	v43 =	vand.u32 $0xFFFFFF80, v18;
	v28 =	vand.u32 $0x7F, v28;
	v41 =	vadd.s32 v17, v25  }
0xa0: {  	v40 =	vadd.s32 v17, v40;
	v25 =	vand.u32 $0x7F, v24;
	v34 =	vor.u32 v34, v41  }
0xa1: {  	v62 =	vand.u32 $0xFFFFFF80, v42;
	v32 =	vand.u32 $0x7F, v53;
	v40 =	vor.u32 v25, v40  }
0xa2: {  	v23 =	vand.u32 $0xFFFFFF80, v23;
	v33 =	vor.u32 v31, v54;
	v31 =	vadd.s32 v17, v61  }
0xa3: {  	v27 =	vadd.s32 $0x6, v27;
	v28 =	vor.u32 v28, v31;
	v31 =	vand.u32 $0xFFFFFF80, v53  }
0xa4: {  	v39 =	vand.u32 $0x7F, v39;
	v38 =	vand.u32 $0x7F, v52;
	v31 =	vadd.s32 v17, v31  }
0xa5: {  	v35 =	vadd.s32 v17, v60;
	v23 =	vadd.s32 v17, v23;
	v44 =	vor.u32 v32, v31;
	v34 =	vld.idx.msk [tilespmem:v34+s17+$0x0], $0xffff  }
0xa6: {  	v37 =	vadd.s32 v17, v59;
	v36 =	vadd.s32 v17, v43;
	v63 =	vor.u32 v30, v23;
	v40 =	vld.idx.msk [tilespmem:v40+s17+$0x0], $0xffff  }
0xa7: {  	v24 =	vadd.s32 v17, v58;
	v30 =	vand.u32 $0x7F, v26;
	v41 =	vadd.s32 v17, v62  }
0xa8: {  	v31 =	vand.u32 $0x7F, v42;
	v32 =	vand.u32 $0xFFFFFF80, v26;
	v26 =	vld.idx.msk [tilespmem:v28+s17+$0x0], $0xffff;
	v28 =	vand.u32 $0xFFFFFF80, v27  }
0xa9: {  	v23 =	vor.u32 v31, v41;
	v31 =	vand.u32 $0x7F, v27;
	v27 =	vld.idx.msk [tilespmem:v33+s17+$0x0], $0xffff;
	v33 =	vadd.s32 v17, v28  }
0xaa: {  	v28 =	vld.idx.msk [tilespmem:v44+s17+$0x0], $0xffff;
	v1 =	vadd.f32 v34, v1;
	v34 =	vor.u32 v29, v37;
	v37 =	vor.u32 v39, v35  }
0xab: {  	s14 =	simm.s32 $0x10;
	s18 =	sadd.s32 $0x10, s0;
	v25 =	vand.u32 $0x7F, v56;
	v2 =	vadd.f32 v40, v2;
	v29 =	vld.idx.msk [tilespmem:v63+s17+$0x0], $0xffff;
	v35 =	vadd.s32 v17, v57  }
.LBB2_5:
0xac: {  	p1 =	sne.s32 s14, $0x70;
	v19 =	vor.u32 v19, v22;
	v22 =	vadd.s32 v17, v32;
	v17 =	vadd.s32 v17, v21;
	s20 =	smov.u32 s14;
	s14 =	sadd.s32 $0x10, s14  }
0xad: {  	v3 =	vadd.f32 v26, v3;
	v32 =	vld [tilespmem:s18+$0x0];
	v26 =	vor.u32 v30, v22;
	v21 =	vor.u32 v38, v17  }
0xae: {  	v17 =	vmov s20;
	v22 =	vor.u32 v25, v24;
	v4 =	vadd.f32 v27, v4  }
0xaf: {  	v27 =	vor.u32 v31, v33;
	v17 =	vshll.u32 v17, $0x7;
	v5 =	vadd.f32 v28, v5;
	v24 =	vld.idx.msk [tilespmem:v37+s17+$0x0], $0xffff  }
0xb0: {  	v18 =	vand.u32 $0x7F, v18;
	v17 =	vor.u32 v0, v17;
	v28 =	vld.idx.msk [tilespmem:v34+s17+$0x0], $0xffff  }
0xb1: {  	v20 =	vor.u32 v20, v35;
	v25 =	vor.u32 v18, v36;
	v6 =	vadd.f32 v29, v6;
	v30 =	vld.idx.msk [tilespmem:v19+s17+$0x0], $0xffff  }
0xb2: {  	v19 =	vand.u32 $0x7F, v32;
	v29 =	vadd.s32 $0xC, v32;
	v38 =	vadd.s32 $0xF, v32;
	v31 =	vld.idx.msk [tilespmem:v21+s17+$0x0], $0xffff  }
0xb3: {  	v33 =	vadd.s32 $0x1, v32;
	v18 =	vadd.s32 $0xA, v32;
	v21 =	vadd.s32 $0xD, v32;
	v34 =	vld.idx.msk [tilespmem:v22+s17+$0x0], $0xffff  }
0xb4: {  	v35 =	vadd.s32 $0x7, v32;
	v36 =	vadd.s32 $0x8, v32;
	v22 =	vand.u32 $0xFFFFFF80, v21  }
0xb5: {  	v37 =	vand.u32 $0x7F, v33;
	v39 =	vand.u32 $0x7F, v21;
	v21 =	vand.u32 $0xFFFFFF80, v38  }
0xb6: {  	v40 =	vadd.s32 $0x9, v32;
	v41 =	vadd.s32 v17, v22;
	v7 =	vadd.f32 v24, v7;
	v42 =	vld.idx.msk [tilespmem:v25+s17+$0x0], $0xffff  }
0xb7: {  	v43 =	vadd.s32 $0x2, v32;
	v22 =	vand.u32 $0xFFFFFF80, v32;
	v24 =	vadd.s32 $0x3, v32;
	v44 =	vld.idx.msk [tilespmem:v20+s17+$0x0], $0xffff  }
0xb8: {  	v45 =	vadd.s32 $0x4, v32;
	v22 =	vadd.s32 v17, v22;
	v25 =	vadd.s32 $0x5, v32  }
0xb9: {  	v46 =	vand.u32 $0xFFFFFF80, v24;
	v20 =	vand.u32 $0x7F, v24;
	v8 =	vadd.f32 v34, v8  }
0xba: {  	v47 =	vadd.s32 $0xE, v32;
	v24 =	vand.u32 $0xFFFFFF80, v45;
	v34 =	vand.u32 $0xFFFFFF80, v25  }
0xbb: {  	v48 =	vadd.s32 v17, v24;
	v24 =	vadd.s32 v17, v34;
	v34 =	vand.u32 $0xFFFFFF80, v36  }
0xbc: {  	v49 =	vand.u32 $0xFFFFFF80, v43;
	v50 =	vand.u32 $0xFFFFFF80, v47;
	v25 =	vand.u32 $0x7F, v25;
	v27 =	vld.idx.msk [tilespmem:v27+s17+$0x0], $0xffff  }
0xbd: {  	v43 =	vand.u32 $0x7F, v43;
	v49 =	vadd.s32 v17, v49;
	v50 =	vadd.s32 v17, v50  }
0xbe: {  	v43 =	vor.u32 v43, v49;
	v49 =	vadd.s32 $0xB, v32;
	v9 =	vadd.f32 v30, v9  }
0xbf: {  	v30 =	vand.u32 $0x7F, v45;
	v45 =	vand.u32 $0xFFFFFF80, v35;
	v36 =	vand.u32 $0x7F, v36;
	v23 =	vld.idx.msk [tilespmem:v23+s17+$0x0], $0xffff  }
0xc0: {  	v39 =	vor.u32 v39, v41;
	v30 =	vor.u32 v30, v48;
	v48 =	vand.u32 $0xFFFFFF80, v18;
	v41 =	vld.idx.msk [tilespmem:v26+s17+$0x0], $0xffff  }
0xc1: {  	v10 =	vadd.f32 v31, v10;
	v26 =	vand.u32 $0x7F, v35;
	v35 =	vand.u32 $0xFFFFFF80, v49  }
0xc2: {  	v31 =	vadd.s32 v17, v45;
	v35 =	vadd.s32 v17, v35;
	v11 =	vadd.f32 v27, v11  }
0xc3: {  	v26 =	vor.u32 v26, v31;
	v31 =	vand.u32 $0xFFFFFF80, v40;
	v27 =	vld.idx.msk [tilespmem:v43+s17+$0x0], $0xffff;
	v43 =	vadd.s32 $0x6, v32  }
0xc4: {  	v12 =	vadd.f32 v28, v12;
	v31 =	vadd.s32 v17, v31;
	v32 =	vand.u32 $0x7F, v40  }
0xc5: {  	v28 =	vand.u32 $0xFFFFFF80, v33;
	v45 =	vor.u32 v32, v31;
	v13 =	vadd.f32 v23, v13;
	v40 =	vld.idx.msk [tilespmem:v30+s17+$0x0], $0xffff  }
0xc6: {  	v14 =	vadd.f32 v42, v14;
	v23 =	vadd.s32 v17, v28;
	v28 =	vand.u32 $0x7F, v49  }
0xc7: {  	v15 =	vadd.f32 v44, v15;
	v42 =	vor.u32 v37, v23;
	v23 =	vor.u32 v28, v35  }
.Ltmp5:
0xc8: {  	v32 =	vand.u32 $0xFFFFFF80, v29;
	v30 =	vand.u32 $0x7F, v29;
	v16 =	vadd.f32 v41, v16;
	v26 =	vld.idx.msk [tilespmem:v26+s17+$0x0], $0xffff;
	(pc) =	sbr.rel @p1 .LBB2_5-.Ltmp5, $4  }
0xc9: {  	v31 =	vand.u32 $0x7F, v43;
	v28 =	vand.u32 $0xFFFFFF80, v43;
	v2 =	vadd.f32 v27, v2;
	v27 =	vld.idx.msk [tilespmem:v39+s17+$0x0], $0xffff  }
0xca: {  	v29 =	vadd.s32 v17, v34;
	v35 =	vand.u32 $0x7F, v47;
	v33 =	vadd.s32 v17, v28;
	v28 =	vld.idx.msk [tilespmem:v45+s17+$0x0], $0xffff  }
0xcb: {  	v34 =	vor.u32 v36, v29;
	v37 =	vor.u32 v35, v50;
	v1 =	vadd.f32 v40, v1  }
0xcc: {  	s18 =	sadd.s32 $0x10, s18;
	v38 =	vand.u32 $0x7F, v38;
	v35 =	vadd.s32 v17, v46;
	v36 =	vadd.s32 v17, v48;
	v29 =	vld.idx.msk [tilespmem:v42+s17+$0x0], $0xffff  }
0xcd: {  	_ =	sdelay $0x1  }
0xce: {  	v19 =	vor.u32 v19, v22  }
0xcf: {  	v22 =	vor.u32 v25, v24  }
0xd0: {  	v24 =	vld.idx.msk [tilespmem:v37+s17+$0x0], $0xffff;
	v20 =	vor.u32 v20, v35  }
0xd1: {  	v21 =	vadd.s32 v17, v21;
	v25 =	vld.idx.msk [tilespmem:v34+s17+$0x0], $0xffff;
	v31 =	vor.u32 v31, v33  }
0xd2: {  	v18 =	vand.u32 $0x7F, v18;
	v23 =	vld.idx.msk [tilespmem:v23+s17+$0x0], $0xffff;
	v21 =	vor.u32 v38, v21  }
0xd3: {  	v17 =	vadd.s32 v17, v32;
	v18 =	vor.u32 v18, v36;
	v19 =	vld.idx.msk [tilespmem:v19+s17+$0x0], $0xffff  }
0xd4: {  	v17 =	vor.u32 v30, v17;
	v22 =	vld.idx.msk [tilespmem:v22+s17+$0x0], $0xffff  }
0xd5: {  	v20 =	vld.idx.msk [tilespmem:v20+s17+$0x0], $0xffff  }
0xd6: {  	v31 =	vld.idx.msk [tilespmem:v31+s17+$0x0], $0xffff  }
0xd7: {  	v21 =	vld.idx.msk [tilespmem:v21+s17+$0x0], $0xffff  }
0xd8: {  	v30 =	vld.idx.msk [tilespmem:v18+s17+$0x0], $0xffff  }
0xd9: {  	v50 =	vld.idx.msk [tilespmem:v17+s17+$0x0], $0xffff;
	_ =	swait.ge [sflag:s24], $0x4000  }
0xda: {  	s14 =	sadd.s32 @!p0 $0x300, s13;
	[sflag:s24] =	ssyncset.done $0x0  }
0xdb: {  	v3 =	vadd.f32 v26, v3;
	s18 =	simm.s32 @!p0 $0x80;
	s20 =	simm.s32 @!p0 $0x10000;
	v4 =	vadd.f32 v27, v4;
	[sflag:s24] =	ssyncadd.s32 $0xFFFFC000  }
0xdc: {  	v6 =	vadd.f32 v29, v6;
	v7 =	vadd.f32 v24, v7;
	[tilespmem:s20], [sflag:$0x3] =	stream.indirect.gather @!p0 [hbm4b:s4+s18], $0x80, s14, s18, $0xb8;
	[tilespmem:$0x19980] =	vst v63  }
0xdd: {  	v12 =	vadd.f32 v25, v12;
	v17 =	vadd.f32 v28, v5;
	v28 =	vld [tilespmem:s1+$0x0]  }
0xde: {  	v13 =	vadd.f32 v23, v13;
	v8 =	vadd.f32 v22, v8  }
0xdf: {  	s20 =	simm.s32 $0x0;
	v9 =	vadd.f32 v19, v9;
	v11 =	vadd.f32 v31, v11  }
0xe0: {  	v5 =	vmov s20;
	v15 =	vadd.f32 v20, v15;
	v18 =	vadd.f32 v21, v10  }
0xe1: {  	v14 =	vadd.f32 v30, v14;
	v16 =	vadd.f32 v50, v16;
	v5 =	vshll.u32 v5, $0x7  }
0xe2: {  	v5 =	vor.u32 v0, v5;
	v21 =	vand.u32 $0x7F, v28;
	v19 =	vadd.s32 $0xC, v28  }
0xe3: {  	v51 =	vadd.s32 $0xF, v28;
	v20 =	vadd.s32 $0x1, v28;
	v10 =	vadd.s32 $0xA, v28  }
0xe4: {  	v22 =	vadd.s32 $0xD, v28;
	v25 =	vadd.s32 $0x7, v28;
	v29 =	vadd.s32 $0x8, v28  }
0xe5: {  	v52 =	vadd.s32 $0x9, v28;
	v26 =	vadd.s32 $0x2, v28;
	v27 =	vadd.s32 $0x3, v28  }
0xe6: {  	v54 =	vadd.s32 $0x4, v28;
	v55 =	vadd.s32 $0x5, v28;
	v39 =	vadd.s32 $0xE, v28  }
0xe7: {  	v42 =	vadd.s32 $0xB, v28;
	v63 =	vadd.s32 $0x6, v28;
	v24 =	vand.u32 $0xFFFFFF80, v22  }
0xe8: {  	v30 =	vand.u32 $0x7F, v20;
	v31 =	vand.u32 $0x7F, v22;
	v23 =	vand.u32 $0xFFFFFF80, v51  }
0xe9: {  	v22 =	vand.u32 $0xFFFFFF80, v28;
	v56 =	vand.u32 $0xFFFFFF80, v27;
	v57 =	vand.u32 $0xFFFFFF80, v55  }
0xea: {  	v40 =	vand.u32 $0xFFFFFF80, v26;
	v58 =	vand.u32 $0xFFFFFF80, v29;
	v53 =	vadd.s32 v5, v24  }
0xeb: {  	v24 =	vadd.s32 v5, v22;
	v22 =	vand.u32 $0x7F, v27;
	v27 =	vand.u32 $0xFFFFFF80, v54  }
0xec: {  	v40 =	vadd.s32 v5, v40;
	v41 =	vadd.s32 v5, v27;
	v27 =	vand.u32 $0x7F, v26  }
0xed: {  	v59 =	vand.u32 $0xFFFFFF80, v39;
	v34 =	vand.u32 $0x7F, v54;
	v40 =	vor.u32 v27, v40  }
0xee: {  	v60 =	vand.u32 $0xFFFFFF80, v25;
	v43 =	vand.u32 $0x7F, v29;
	v34 =	vor.u32 v34, v41  }
0xef: {  	v44 =	vand.u32 $0xFFFFFF80, v10;
	v25 =	vand.u32 $0x7F, v25;
	v61 =	vand.u32 $0xFFFFFF80, v42  }
0xf0: {  	v20 =	vand.u32 $0xFFFFFF80, v20;
	v29 =	vor.u32 v31, v53;
	v31 =	vadd.s32 v5, v60  }
0xf1: {  	v33 =	vand.u32 $0xFFFFFF80, v19;
	v41 =	vor.u32 v25, v31;
	v25 =	vand.u32 $0xFFFFFF80, v52  }
0xf2: {  	v32 =	vand.u32 $0x7F, v63;
	v31 =	vand.u32 $0x7F, v52;
	v25 =	vadd.s32 v5, v25;
	v40 =	vld.idx.msk [tilespmem:v40+s19+$0x0], $0xffff  }
0xf3: {  	v39 =	vand.u32 $0x7F, v39;
	v20 =	vadd.s32 v5, v20;
	v46 =	vor.u32 v31, v25;
	v45 =	vld.idx.msk [tilespmem:v34+s19+$0x0], $0xffff  }
0xf4: {  	v38 =	vand.u32 $0x7F, v51;
	v35 =	vadd.s32 v5, v59;
	v30 =	vor.u32 v30, v20  }
0xf5: {  	v62 =	vadd.s32 v5, v61;
	v37 =	vadd.s32 v5, v58;
	v36 =	vadd.s32 v5, v44  }
0xf6: {  	v26 =	vadd.s32 v5, v57;
	v20 =	vand.u32 $0xFFFFFF80, v63;
	v25 =	vand.u32 $0x7F, v42;
	v28 =	vld.idx.msk [tilespmem:v41+s19+$0x0], $0xffff  }
0xf7: {  	v31 =	vand.u32 $0x7F, v19;
	v34 =	vadd.s32 v5, v20;
	v19 =	vadd.f32 v40, v2;
	v2 =	vld.idx.msk [tilespmem:v29+s19+$0x0], $0xffff  }
0xf8: {  	v29 =	vld.idx.msk [tilespmem:v46+s19+$0x0], $0xffff;
	v20 =	vadd.f32 v45, v1;
	v1 =	vor.u32 v43, v37;
	v37 =	vor.u32 v39, v35  }
0xf9: {  	s14 =	simm.s32 $0x10;
	s18 =	sadd.s32 $0x10, s1;
	v27 =	vand.u32 $0x7F, v55;
	v25 =	vor.u32 v25, v62;
	v30 =	vld.idx.msk [tilespmem:v30+s19+$0x0], $0xffff;
	v35 =	vadd.s32 v5, v56  }
.LBB2_7:
0xfa: {  	p1 =	sne.s32 s14, $0x70;
	v21 =	vor.u32 v21, v24;
	v24 =	vadd.s32 v5, v33;
	v5 =	vadd.s32 v5, v23;
	s20 =	smov.u32 s14;
	s14 =	sadd.s32 $0x10, s14  }
0xfb: {  	v3 =	vadd.f32 v28, v3;
	v33 =	vld [tilespmem:s18+$0x0];
	v28 =	vor.u32 v31, v24;
	v23 =	vor.u32 v38, v5  }
0xfc: {  	v5 =	vmov s20;
	v24 =	vor.u32 v27, v26;
	v4 =	vadd.f32 v2, v4  }
0xfd: {  	v31 =	vor.u32 v32, v34;
	v2 =	vshll.u32 v5, $0x7;
	v17 =	vadd.f32 v29, v17;
	v26 =	vld.idx.msk [tilespmem:v37+s19+$0x0], $0xffff  }
0xfe: {  	v5 =	vor.u32 v0, v2;
	v2 =	vand.u32 $0x7F, v10;
	v1 =	vld.idx.msk [tilespmem:v1+s19+$0x0], $0xffff  }
0xff: {  	v22 =	vor.u32 v22, v35;
	v6 =	vadd.f32 v30, v6;
	v2 =	vor.u32 v2, v36;
	v29 =	vld.idx.msk [tilespmem:v21+s19+$0x0], $0xffff  }
0x100: {  	v21 =	vand.u32 $0x7F, v33;
	v30 =	vadd.s32 $0xC, v33;
	v38 =	vadd.s32 $0xF, v33;
	v32 =	vld.idx.msk [tilespmem:v23+s19+$0x0], $0xffff  }
0x101: {  	v34 =	vadd.s32 $0x1, v33;
	v10 =	vadd.s32 $0xA, v33;
	v23 =	vadd.s32 $0xD, v33;
	v27 =	vld.idx.msk [tilespmem:v24+s19+$0x0], $0xffff  }
0x102: {  	v35 =	vadd.s32 $0x7, v33;
	v36 =	vadd.s32 $0x8, v33;
	v24 =	vand.u32 $0xFFFFFF80, v23  }
0x103: {  	v37 =	vand.u32 $0x7F, v34;
	v39 =	vand.u32 $0x7F, v23;
	v23 =	vand.u32 $0xFFFFFF80, v38  }
0x104: {  	v40 =	vadd.s32 $0x9, v33;
	v41 =	vadd.s32 v5, v24;
	v7 =	vadd.f32 v26, v7;
	v2 =	vld.idx.msk [tilespmem:v2+s19+$0x0], $0xffff  }
0x105: {  	v42 =	vadd.s32 $0x2, v33;
	v24 =	vand.u32 $0xFFFFFF80, v33;
	v26 =	vadd.s32 $0x3, v33;
	v43 =	vld.idx.msk [tilespmem:v22+s19+$0x0], $0xffff  }
0x106: {  	v44 =	vadd.s32 $0x4, v33;
	v45 =	vadd.s32 $0x5, v33;
	v24 =	vadd.s32 v5, v24  }
0x107: {  	v46 =	vand.u32 $0xFFFFFF80, v26;
	v22 =	vand.u32 $0x7F, v26;
	v8 =	vadd.f32 v27, v8  }
0x108: {  	v47 =	vadd.s32 $0xE, v33;
	v26 =	vand.u32 $0xFFFFFF80, v44;
	v27 =	vand.u32 $0xFFFFFF80, v45  }
0x109: {  	v49 =	vand.u32 $0xFFFFFF80, v36;
	v48 =	vadd.s32 v5, v26;
	v26 =	vadd.s32 v5, v27  }
0x10a: {  	v50 =	vand.u32 $0xFFFFFF80, v42;
	v27 =	vand.u32 $0x7F, v45;
	v45 =	vand.u32 $0xFFFFFF80, v47;
	v31 =	vld.idx.msk [tilespmem:v31+s19+$0x0], $0xffff  }
0x10b: {  	v42 =	vand.u32 $0x7F, v42;
	v50 =	vadd.s32 v5, v50;
	v45 =	vadd.s32 v5, v45  }
0x10c: {  	v42 =	vor.u32 v42, v50;
	v50 =	vadd.s32 $0xB, v33;
	v9 =	vadd.f32 v29, v9  }
0x10d: {  	v36 =	vand.u32 $0x7F, v36;
	v29 =	vand.u32 $0x7F, v44;
	v44 =	vand.u32 $0xFFFFFF80, v35;
	v25 =	vld.idx.msk [tilespmem:v25+s19+$0x0], $0xffff  }
0x10e: {  	v39 =	vor.u32 v39, v41;
	v29 =	vor.u32 v29, v48;
	v48 =	vand.u32 $0xFFFFFF80, v10;
	v41 =	vld.idx.msk [tilespmem:v28+s19+$0x0], $0xffff  }
0x10f: {  	v18 =	vadd.f32 v32, v18;
	v28 =	vand.u32 $0x7F, v35;
	v35 =	vand.u32 $0xFFFFFF80, v50  }
0x110: {  	v32 =	vadd.s32 v5, v44;
	v35 =	vadd.s32 v5, v35;
	v11 =	vadd.f32 v31, v11  }
0x111: {  	v44 =	vadd.s32 $0x6, v33;
	v28 =	vor.u32 v28, v32;
	v31 =	vand.u32 $0xFFFFFF80, v40;
	v42 =	vld.idx.msk [tilespmem:v42+s19+$0x0], $0xffff  }
0x112: {  	v12 =	vadd.f32 v1, v12;
	v32 =	vand.u32 $0x7F, v40;
	v31 =	vadd.s32 v5, v31  }
0x113: {  	v1 =	vand.u32 $0xFFFFFF80, v34;
	v13 =	vadd.f32 v25, v13;
	v40 =	vld.idx.msk [tilespmem:v29+s19+$0x0], $0xffff;
	v29 =	vor.u32 v32, v31  }
0x114: {  	v1 =	vadd.s32 v5, v1;
	v14 =	vadd.f32 v2, v14;
	v25 =	vand.u32 $0x7F, v50  }
0x115: {  	v15 =	vadd.f32 v43, v15;
	v50 =	vor.u32 v37, v1;
	v25 =	vor.u32 v25, v35  }
.Ltmp6:
0x116: {  	v33 =	vand.u32 $0xFFFFFF80, v30;
	v31 =	vand.u32 $0x7F, v30;
	v16 =	vadd.f32 v41, v16;
	v28 =	vld.idx.msk [tilespmem:v28+s19+$0x0], $0xffff;
	(pc) =	sbr.rel @p1 .LBB2_7-.Ltmp6, $4  }
0x117: {  	v1 =	vand.u32 $0xFFFFFF80, v44;
	v32 =	vand.u32 $0x7F, v44;
	v19 =	vadd.f32 v42, v19;
	v2 =	vld.idx.msk [tilespmem:v39+s19+$0x0], $0xffff  }
0x118: {  	v34 =	vadd.s32 v5, v1;
	v1 =	vadd.s32 v5, v49;
	v30 =	vand.u32 $0x7F, v47;
	v29 =	vld.idx.msk [tilespmem:v29+s19+$0x0], $0xffff  }
0x119: {  	v1 =	vor.u32 v36, v1;
	v37 =	vor.u32 v30, v45;
	v20 =	vadd.f32 v40, v20  }
0x11a: {  	s18 =	sadd.s32 $0x10, s18;
	v38 =	vand.u32 $0x7F, v38;
	v35 =	vadd.s32 v5, v46;
	v36 =	vadd.s32 v5, v48;
	v30 =	vld.idx.msk [tilespmem:v50+s19+$0x0], $0xffff  }
0x11b: {  	_ =	sdelay $0x1  }
0x11c: {  	v21 =	vor.u32 v21, v24  }
0x11d: {  	v24 =	vor.u32 v27, v26  }
0x11e: {  	v27 =	vld.idx.msk [tilespmem:v1+s19+$0x0], $0xffff;
	v1 =	vor.u32 v22, v35  }
0x11f: {  	v23 =	vadd.s32 v5, v23;
	v26 =	vld.idx.msk [tilespmem:v37+s19+$0x0], $0xffff;
	v22 =	vor.u32 v32, v34  }
0x120: {  	v10 =	vand.u32 $0x7F, v10;
	v25 =	vld.idx.msk [tilespmem:v25+s19+$0x0], $0xffff;
	v23 =	vor.u32 v38, v23  }
0x121: {  	v5 =	vadd.s32 v5, v33;
	v10 =	vor.u32 v10, v36;
	v21 =	vld.idx.msk [tilespmem:v21+s19+$0x0], $0xffff  }
0x122: {  	v5 =	vor.u32 v31, v5;
	v24 =	vld.idx.msk [tilespmem:v24+s19+$0x0], $0xffff  }
0x123: {  	v49 =	vld.idx.msk [tilespmem:v1+s19+$0x0], $0xffff  }
0x124: {  	v22 =	vld.idx.msk [tilespmem:v22+s19+$0x0], $0xffff  }
0x125: {  	v23 =	vld.idx.msk [tilespmem:v23+s19+$0x0], $0xffff  }
0x126: {  	v31 =	vld.idx.msk [tilespmem:v10+s19+$0x0], $0xffff  }
0x127: {  	v50 =	vld.idx.msk [tilespmem:v5+s19+$0x0], $0xffff;
	_ =	swait.ge [sflag:s25], $0x4000  }
0x128: {  	s13 =	sadd.s32 @!p0 $0x380, s13;
	[sflag:s25] =	ssyncset.done $0x0  }
0x129: {  	s14 =	simm.s32 @!p0 $0x80;
	s18 =	simm.s32 @!p0 $0x14000;
	v1 =	vadd.f32 v2, v4;
	[sflag:s25] =	ssyncadd.s32 $0xFFFFC000  }
0x12a: {  	v4 =	vadd.f32 v29, v17;
	v17 =	vadd.f32 v30, v6;
	[tilespmem:s18], [sflag:$0x4] =	stream.indirect.gather @!p0 [hbm4b:s4+s14], $0x80, s13, s14, $0xb8;
	[tilespmem:$0x19980] =	vst v63  }
0x12b: {  	v2 =	vadd.f32 v26, v7;
	v10 =	vadd.f32 v24, v8;
	v24 =	vld [tilespmem:s2+$0x0]  }
0x12c: {  	s20 =	simm.s32 $0x0;
	v6 =	vadd.f32 v25, v13;
	v5 =	vadd.f32 v28, v3  }
0x12d: {  	v13 =	vmov s20;
	v21 =	vadd.f32 v21, v9;
	v11 =	vadd.f32 v22, v11  }
0x12e: {  	v13 =	vshll.u32 v13, $0x7;
	v9 =	vadd.f32 v27, v12;
	v12 =	vadd.f32 v49, v15  }
0x12f: {  	v13 =	vor.u32 v0, v13;
	v3 =	vadd.f32 v23, v18;
	v8 =	vadd.f32 v31, v14  }
0x130: {  	v7 =	vadd.f32 v50, v16;
	v15 =	vand.u32 $0x7F, v24;
	v16 =	vadd.s32 $0xC, v24  }
0x131: {  	v51 =	vadd.s32 $0xF, v24;
	v18 =	vadd.s32 $0x1, v24;
	v14 =	vadd.s32 $0xA, v24  }
0x132: {  	v22 =	vadd.s32 $0xD, v24;
	v28 =	vadd.s32 $0x7, v24;
	v29 =	vadd.s32 $0x8, v24  }
0x133: {  	v52 =	vadd.s32 $0x9, v24;
	v26 =	vadd.s32 $0x2, v24;
	v27 =	vadd.s32 $0x3, v24  }
0x134: {  	v54 =	vadd.s32 $0x4, v24;
	v55 =	vadd.s32 $0x5, v24;
	v39 =	vadd.s32 $0xE, v24  }
0x135: {  	v42 =	vadd.s32 $0xB, v24;
	v25 =	vand.u32 $0xFFFFFF80, v22;
	v30 =	vand.u32 $0x7F, v18  }
0x136: {  	v31 =	vand.u32 $0x7F, v22;
	v23 =	vand.u32 $0xFFFFFF80, v51;
	v22 =	vand.u32 $0xFFFFFF80, v24  }
0x137: {  	v56 =	vand.u32 $0xFFFFFF80, v27;
	v57 =	vand.u32 $0xFFFFFF80, v55;
	v40 =	vand.u32 $0xFFFFFF80, v26  }
0x138: {  	v58 =	vand.u32 $0xFFFFFF80, v29;
	v59 =	vand.u32 $0xFFFFFF80, v39;
	v53 =	vadd.s32 v13, v25  }
0x139: {  	v25 =	vadd.s32 v13, v22;
	v22 =	vand.u32 $0x7F, v27;
	v27 =	vand.u32 $0xFFFFFF80, v54  }
0x13a: {  	v40 =	vadd.s32 v13, v40;
	v41 =	vadd.s32 v13, v27;
	v27 =	vand.u32 $0x7F, v26  }
0x13b: {  	v34 =	vand.u32 $0x7F, v54;
	v60 =	vand.u32 $0xFFFFFF80, v28;
	v40 =	vor.u32 v27, v40  }
0x13c: {  	v43 =	vand.u32 $0x7F, v29;
	v44 =	vand.u32 $0xFFFFFF80, v14;
	v34 =	vor.u32 v34, v41  }
0x13d: {  	v28 =	vand.u32 $0x7F, v28;
	v61 =	vand.u32 $0xFFFFFF80, v42;
	v32 =	vand.u32 $0x7F, v52  }
0x13e: {  	v18 =	vand.u32 $0xFFFFFF80, v18;
	v29 =	vor.u32 v31, v53;
	v31 =	vadd.s32 v13, v60  }
0x13f: {  	v39 =	vand.u32 $0x7F, v39;
	v28 =	vor.u32 v28, v31;
	v31 =	vand.u32 $0xFFFFFF80, v52  }
0x140: {  	v38 =	vand.u32 $0x7F, v51;
	v35 =	vadd.s32 v13, v59;
	v31 =	vadd.s32 v13, v31;
	v40 =	vld.idx.msk [tilespmem:v40+s21+$0x0], $0xffff  }
0x141: {  	v33 =	vadd.s32 v13, v61;
	v18 =	vadd.s32 v13, v18;
	v62 =	vor.u32 v32, v31;
	v34 =	vld.idx.msk [tilespmem:v34+s21+$0x0], $0xffff  }
0x142: {  	v37 =	vadd.s32 v13, v58;
	v36 =	vadd.s32 v13, v44;
	v63 =	vor.u32 v30, v18  }
0x143: {  	v26 =	vadd.s32 v13, v57;
	v30 =	vand.u32 $0x7F, v16;
	v31 =	vadd.s32 $0x6, v24  }
0x144: {  	v24 =	vand.u32 $0x7F, v42;
	v32 =	vand.u32 $0xFFFFFF80, v16;
	v18 =	vand.u32 $0xFFFFFF80, v31;
	v28 =	vld.idx.msk [tilespmem:v28+s21+$0x0], $0xffff  }
0x145: {  	v24 =	vor.u32 v24, v33;
	v33 =	vadd.s32 v13, v18;
	v16 =	vadd.f32 v40, v19;
	v19 =	vld.idx.msk [tilespmem:v29+s21+$0x0], $0xffff  }
0x146: {  	v29 =	vld.idx.msk [tilespmem:v62+s21+$0x0], $0xffff;
	v18 =	vadd.f32 v34, v20;
	v34 =	vor.u32 v43, v37;
	v37 =	vor.u32 v39, v35  }
0x147: {  	s13 =	simm.s32 $0x10;
	s14 =	sadd.s32 $0x10, s2;
	v27 =	vand.u32 $0x7F, v55;
	v31 =	vand.u32 $0x7F, v31;
	v20 =	vld.idx.msk [tilespmem:v63+s21+$0x0], $0xffff;
	v35 =	vadd.s32 v13, v56  }
.LBB2_9:
0x148: {  	p0 =	sne.s32 s13, $0x70;
	v15 =	vor.u32 v15, v25;
	v25 =	vadd.s32 v13, v32;
	v13 =	vadd.s32 v13, v23;
	s18 =	smov.u32 s13;
	s13 =	sadd.s32 $0x10, s13  }
0x149: {  	v5 =	vadd.f32 v28, v5;
	v32 =	vld [tilespmem:s14+$0x0];
	v28 =	vor.u32 v30, v25;
	v23 =	vor.u32 v38, v13  }
0x14a: {  	v13 =	vmov s18;
	v25 =	vor.u32 v27, v26;
	v1 =	vadd.f32 v19, v1  }
0x14b: {  	v19 =	vor.u32 v31, v33;
	v13 =	vshll.u32 v13, $0x7;
	v4 =	vadd.f32 v29, v4;
	v26 =	vld.idx.msk [tilespmem:v37+s21+$0x0], $0xffff  }
0x14c: {  	v14 =	vand.u32 $0x7F, v14;
	v13 =	vor.u32 v0, v13;
	v29 =	vld.idx.msk [tilespmem:v34+s21+$0x0], $0xffff  }
0x14d: {  	v17 =	vadd.f32 v20, v17;
	v20 =	vor.u32 v22, v35;
	v22 =	vor.u32 v14, v36;
	v30 =	vld.idx.msk [tilespmem:v15+s21+$0x0], $0xffff  }
0x14e: {  	v15 =	vand.u32 $0x7F, v32;
	v31 =	vadd.s32 $0xC, v32;
	v38 =	vadd.s32 $0xF, v32;
	v33 =	vld.idx.msk [tilespmem:v23+s21+$0x0], $0xffff  }
0x14f: {  	v34 =	vadd.s32 $0x1, v32;
	v14 =	vadd.s32 $0xA, v32;
	v23 =	vadd.s32 $0xD, v32;
	v27 =	vld.idx.msk [tilespmem:v25+s21+$0x0], $0xffff  }
0x150: {  	v35 =	vadd.s32 $0x7, v32;
	v36 =	vadd.s32 $0x8, v32;
	v25 =	vand.u32 $0xFFFFFF80, v23  }
0x151: {  	v37 =	vand.u32 $0x7F, v34;
	v39 =	vand.u32 $0x7F, v23;
	v23 =	vand.u32 $0xFFFFFF80, v38  }
0x152: {  	v40 =	vadd.s32 $0x9, v32;
	v41 =	vadd.s32 v13, v25;
	v2 =	vadd.f32 v26, v2;
	v42 =	vld.idx.msk [tilespmem:v22+s21+$0x0], $0xffff  }
0x153: {  	v43 =	vadd.s32 $0x2, v32;
	v26 =	vadd.s32 $0x3, v32;
	v22 =	vand.u32 $0xFFFFFF80, v32;
	v20 =	vld.idx.msk [tilespmem:v20+s21+$0x0], $0xffff  }
0x154: {  	v44 =	vadd.s32 $0x4, v32;
	v45 =	vadd.s32 $0x5, v32;
	v25 =	vadd.s32 v13, v22  }
0x155: {  	v46 =	vand.u32 $0xFFFFFF80, v26;
	v22 =	vand.u32 $0x7F, v26;
	v10 =	vadd.f32 v27, v10  }
0x156: {  	v47 =	vadd.s32 $0xE, v32;
	v26 =	vand.u32 $0xFFFFFF80, v44;
	v27 =	vand.u32 $0xFFFFFF80, v45  }
0x157: {  	v49 =	vand.u32 $0xFFFFFF80, v36;
	v48 =	vadd.s32 v13, v26;
	v26 =	vadd.s32 v13, v27  }
0x158: {  	v50 =	vand.u32 $0xFFFFFF80, v43;
	v27 =	vand.u32 $0x7F, v45;
	v45 =	vand.u32 $0xFFFFFF80, v47;
	v19 =	vld.idx.msk [tilespmem:v19+s21+$0x0], $0xffff  }
0x159: {  	v43 =	vand.u32 $0x7F, v43;
	v50 =	vadd.s32 v13, v50;
	v45 =	vadd.s32 v13, v45  }
0x15a: {  	v43 =	vor.u32 v43, v50;
	v50 =	vadd.s32 $0xB, v32;
	v21 =	vadd.f32 v30, v21  }
0x15b: {  	v36 =	vand.u32 $0x7F, v36;
	v30 =	vand.u32 $0x7F, v44;
	v44 =	vand.u32 $0xFFFFFF80, v35;
	v24 =	vld.idx.msk [tilespmem:v24+s21+$0x0], $0xffff  }
0x15c: {  	v39 =	vor.u32 v39, v41;
	v30 =	vor.u32 v30, v48;
	v48 =	vand.u32 $0xFFFFFF80, v14;
	v41 =	vld.idx.msk [tilespmem:v28+s21+$0x0], $0xffff  }
0x15d: {  	v3 =	vadd.f32 v33, v3;
	v28 =	vand.u32 $0x7F, v35;
	v35 =	vand.u32 $0xFFFFFF80, v50  }
0x15e: {  	v33 =	vadd.s32 v13, v44;
	v35 =	vadd.s32 v13, v35;
	v11 =	vadd.f32 v19, v11  }
0x15f: {  	v28 =	vor.u32 v28, v33;
	v19 =	vld.idx.msk [tilespmem:v43+s21+$0x0], $0xffff;
	v43 =	vadd.s32 $0x6, v32;
	v32 =	vand.u32 $0xFFFFFF80, v40  }
0x160: {  	v9 =	vadd.f32 v29, v9;
	v33 =	vand.u32 $0x7F, v40;
	v32 =	vadd.s32 v13, v32  }
0x161: {  	v29 =	vand.u32 $0xFFFFFF80, v34;
	v6 =	vadd.f32 v24, v6;
	v34 =	vld.idx.msk [tilespmem:v30+s21+$0x0], $0xffff;
	v40 =	vor.u32 v33, v32  }
0x162: {  	v8 =	vadd.f32 v42, v8;
	v24 =	vadd.s32 v13, v29;
	v29 =	vand.u32 $0x7F, v50  }
0x163: {  	v12 =	vadd.f32 v20, v12;
	v42 =	vor.u32 v37, v24;
	v24 =	vor.u32 v29, v35  }
.Ltmp7:
0x164: {  	v32 =	vand.u32 $0xFFFFFF80, v31;
	v30 =	vand.u32 $0x7F, v31;
	v7 =	vadd.f32 v41, v7;
	v28 =	vld.idx.msk [tilespmem:v28+s21+$0x0], $0xffff;
	(pc) =	sbr.rel @p0 .LBB2_9-.Ltmp7, $4  }
0x165: {  	v20 =	vand.u32 $0xFFFFFF80, v43;
	v31 =	vand.u32 $0x7F, v43;
	v16 =	vadd.f32 v19, v16;
	v19 =	vld.idx.msk [tilespmem:v39+s21+$0x0], $0xffff  }
0x166: {  	v33 =	vadd.s32 v13, v20;
	v20 =	vadd.s32 v13, v49;
	v35 =	vand.u32 $0x7F, v47;
	v29 =	vld.idx.msk [tilespmem:v40+s21+$0x0], $0xffff  }
0x167: {  	v37 =	vor.u32 v35, v45;
	v18 =	vadd.f32 v34, v18;
	v34 =	vor.u32 v36, v20  }
0x168: {  	s14 =	sadd.s32 $0x10, s14;
	v38 =	vand.u32 $0x7F, v38;
	v35 =	vadd.s32 v13, v46;
	v36 =	vadd.s32 v13, v48;
	v20 =	vld.idx.msk [tilespmem:v42+s21+$0x0], $0xffff  }
0x169: {  	_ = 	snop  }
0x16a: {  	v15 =	vor.u32 v15, v25;
	_ =	sdelay $0x1  }
0x16b: {  	v40 =	vor.u32 v27, v26  }
0x16c: {  	v41 =	vld.idx.msk [tilespmem:v37+s21+$0x0], $0xffff;
	v22 =	vor.u32 v22, v35  }
0x16d: {  	v23 =	vadd.s32 v13, v23;
	v42 =	vld.idx.msk [tilespmem:v34+s21+$0x0], $0xffff;
	v31 =	vor.u32 v31, v33  }
0x16e: {  	v14 =	vand.u32 $0x7F, v14;
	v23 =	vor.u32 v38, v23;
	v15 =	vld.idx.msk [tilespmem:v15+s21+$0x0], $0xffff  }
0x16f: {  	v43 =	vadd.s32 v13, v32;
	v46 =	vld.idx.msk [tilespmem:v24+s21+$0x0], $0xffff;
	v14 =	vor.u32 v14, v36  }
0x170: {  	v13 =	vor.u32 v30, v43;
	v25 =	vld.idx.msk [tilespmem:v40+s21+$0x0], $0xffff  }
0x171: {  	v44 =	vor.u32 $0x1, v0;
	v22 =	vld.idx.msk [tilespmem:v22+s21+$0x0], $0xffff  }
0x172: {  	v45 =	vor.u32 $0x2, v0;
	v31 =	vld.idx.msk [tilespmem:v31+s21+$0x0], $0xffff  }
0x173: {  	v47 =	vor.u32 $0x3, v0;
	v23 =	vld.idx.msk [tilespmem:v23+s21+$0x0], $0xffff;
	v15 =	vadd.f32 v15, v21  }
0x174: {  	v48 =	vor.u32 $0x4, v0;
	v17 =	vadd.f32 v20, v17;
	v14 =	vld.idx.msk [tilespmem:v14+s21+$0x0], $0xffff  }
0x175: {  	v49 =	vor.u32 $0x5, v0;
	v13 =	vld.idx.msk [tilespmem:v13+s21+$0x0], $0xffff;
	[tilespmem:v0+s26+$0x0] =	vst.idx.msk $0xffff, v15  }
0x176: {  	v50 =	vor.u32 $0x6, v0;
	v12 =	vadd.f32 v22, v12;
	[tilespmem:v44+s26+$0x0] =	vst.idx.msk $0xffff, v17  }
0x177: {  	v51 =	vor.u32 $0x7, v0;
	[tilespmem:v45+s26+$0x0] =	vst.idx.msk $0xffff, v16  }
0x178: {  	v52 =	vor.u32 $0x8, v0;
	v10 =	vadd.f32 v25, v10;
	[tilespmem:v47+s26+$0x0] =	vst.idx.msk $0xffff, v12  }
0x179: {  	v53 =	vor.u32 $0x9, v0;
	v11 =	vadd.f32 v31, v11;
	[tilespmem:v48+s26+$0x0] =	vst.idx.msk $0xffff, v18  }
0x17a: {  	v5 =	vadd.f32 v28, v5;
	v54 =	vor.u32 $0xA, v0;
	[tilespmem:v49+s26+$0x0] =	vst.idx.msk $0xffff, v10  }
0x17b: {  	v55 =	vor.u32 $0xB, v0;
	v9 =	vadd.f32 v42, v9;
	[tilespmem:v50+s26+$0x0] =	vst.idx.msk $0xffff, v11  }
0x17c: {  	v56 =	vor.u32 $0xC, v0;
	v4 =	vadd.f32 v29, v4;
	[tilespmem:v51+s26+$0x0] =	vst.idx.msk $0xffff, v5  }
0x17d: {  	v57 =	vor.u32 $0xD, v0;
	v8 =	vadd.f32 v14, v8;
	[tilespmem:v52+s26+$0x0] =	vst.idx.msk $0xffff, v9  }
0x17e: {  	v58 =	vor.u32 $0xE, v0;
	v6 =	vadd.f32 v46, v6;
	[tilespmem:v53+s26+$0x0] =	vst.idx.msk $0xffff, v4  }
0x17f: {  	v59 =	vor.u32 $0xF, v0;
	v7 =	vadd.f32 v13, v7;
	[tilespmem:v54+s26+$0x0] =	vst.idx.msk $0xffff, v8  }
0x180: {  	v1 =	vadd.f32 v19, v1;
	[tilespmem:v55+s26+$0x0] =	vst.idx.msk $0xffff, v6  }
0x181: {  	v2 =	vadd.f32 v41, v2;
	[tilespmem:v56+s26+$0x0] =	vst.idx.msk $0xffff, v7  }
0x182: {  	v3 =	vadd.f32 v23, v3;
	[tilespmem:v57+s26+$0x0] =	vst.idx.msk $0xffff, v1  }
0x183: {  	[tilespmem:v58+s26+$0x0] =	vst.idx.msk $0xffff, v2  }
0x184: {  	[tilespmem:v59+s26+$0x0] =	vst.idx.msk $0xffff, v3  }
0x185: {  	v1 =	vld [tilespmem:$0x18000]  }
0x186: {  	v2 =	vld [tilespmem:$0x18080];
	_ =	sdelay $0x1  }
0x187: {  	v3 =	vld [tilespmem:$0x18100];
	_ =	sdelay $0x1  }
0x188: {  	v4 =	vld [tilespmem:$0x18180]  }
0x189: {  	v1 =	vadd.f32 v2, v1  }
0x18a: {  	v2 =	vld [tilespmem:$0x18200]  }
0x18b: {  	v1 =	vadd.f32 v3, v1  }
0x18c: {  	v3 =	vld [tilespmem:$0x18280]  }
0x18d: {  	v1 =	vadd.f32 v4, v1  }
0x18e: {  	v60 =	vld [tilespmem:$0x18300]  }
0x18f: {  	v1 =	vadd.f32 v2, v1  }
0x190: {  	v2 =	vld [tilespmem:$0x18380]  }
0x191: {  	v1 =	vadd.f32 v3, v1  }
0x192: {  	v3 =	vld [tilespmem:$0x18400]  }
0x193: {  	v1 =	vadd.f32 v60, v1  }
0x194: {  	v61 =	vld [tilespmem:$0x18480]  }
0x195: {  	v1 =	vadd.f32 v2, v1  }
0x196: {  	v2 =	vld [tilespmem:$0x18500]  }
0x197: {  	v1 =	vadd.f32 v3, v1  }
0x198: {  	v3 =	vld [tilespmem:$0x18580]  }
0x199: {  	v1 =	vadd.f32 v61, v1  }
0x19a: {  	v62 =	vld [tilespmem:$0x18600]  }
0x19b: {  	v1 =	vadd.f32 v2, v1  }
0x19c: {  	v2 =	vld [tilespmem:$0x18680]  }
0x19d: {  	v1 =	vadd.f32 v3, v1  }
0x19e: {  	v3 =	vld [tilespmem:$0x18700]  }
0x19f: {  	v1 =	vadd.f32 v62, v1  }
0x1a0: {  	v63 =	vld [tilespmem:$0x18780]  }
0x1a1: {  	v1 =	vadd.f32 v2, v1  }
0x1a2: {  	v2 =	vld [tilespmem:$0x18800]  }
0x1a3: {  	v1 =	vadd.f32 v3, v1  }
0x1a4: {  	s13 =	sand.u32 $0xF, s12  }
0x1a5: {  	p0 =	sne.s32 s13, $0xF;
	v3 =	vor.u32 s13, v0;
	v1 =	vadd.f32 v63, v1  }
.Ltmp8:
0x1a6: {  	_ = 	snop;
	(pc) =	sbr.rel @p0 .LBB2_12-.Ltmp8, $3  }
0x1a7: {  	v1 =	vadd.f32 v2, v1;
	_ =	sdelay $0x1  }
0x1a8: {  	v1 =	vmax.f32 v1, $0.0e+00  }
0x1a9: {  	[tilespmem:v3+s28+$0x0] =	vst.idx.msk $0xffff, v1  }
0x1aa: {  	v1 =	vld [tilespmem:$0x19080]  }
0x1ab: {  	v2 =	vld [tilespmem:$0x19100]  }
0x1ac: {  	v3 =	vld [tilespmem:$0x18880]  }
0x1ad: {  	v4 =	vld [tilespmem:$0x19180]  }
0x1ae: {  	v5 =	vld [tilespmem:$0x18900]  }
0x1af: {  	v6 =	vld [tilespmem:$0x19200]  }
0x1b0: {  	v7 =	vld [tilespmem:$0x18980]  }
0x1b1: {  	v8 =	vld [tilespmem:$0x18A00];
	v2 =	vmul.f32 v3, v2  }
0x1b2: {  	v3 =	vld [tilespmem:$0x19280]  }
0x1b3: {  	v44 =	vld [tilespmem:$0x19300];
	v1 =	vadd.f32 v2, v1;
	v2 =	vmul.f32 v5, v4  }
0x1b4: {  	v45 =	vld [tilespmem:$0x18A80]  }
0x1b5: {  	v46 =	vld [tilespmem:$0x19380];
	v1 =	vadd.f32 v2, v1;
	v2 =	vmul.f32 v7, v6  }
0x1b6: {  	v47 =	vld [tilespmem:$0x18B00]  }
0x1b7: {  	v48 =	vld [tilespmem:$0x18B80];
	v1 =	vadd.f32 v2, v1;
	v2 =	vmul.f32 v8, v3  }
0x1b8: {  	v3 =	vld [tilespmem:$0x19400]  }
0x1b9: {  	v49 =	vld [tilespmem:$0x19480];
	v1 =	vadd.f32 v2, v1;
	v2 =	vmul.f32 v45, v44  }
0x1ba: {  	v50 =	vld [tilespmem:$0x18C00]  }
0x1bb: {  	v51 =	vld [tilespmem:$0x19500];
	v1 =	vadd.f32 v2, v1;
	v2 =	vmul.f32 v47, v46  }
0x1bc: {  	v52 =	vld [tilespmem:$0x18C80]  }
0x1bd: {  	v53 =	vld [tilespmem:$0x18D00];
	v1 =	vadd.f32 v2, v1;
	v2 =	vmul.f32 v48, v3  }
0x1be: {  	v3 =	vld [tilespmem:$0x19580]  }
0x1bf: {  	v54 =	vld [tilespmem:$0x19600];
	v1 =	vadd.f32 v2, v1;
	v2 =	vmul.f32 v50, v49  }
0x1c0: {  	v55 =	vld [tilespmem:$0x18D80]  }
0x1c1: {  	v56 =	vld [tilespmem:$0x19680];
	v1 =	vadd.f32 v2, v1;
	v2 =	vmul.f32 v52, v51  }
0x1c2: {  	v57 =	vld [tilespmem:$0x18E00]  }
0x1c3: {  	v58 =	vld [tilespmem:$0x18E80];
	v1 =	vadd.f32 v2, v1;
	v2 =	vmul.f32 v53, v3  }
0x1c4: {  	v3 =	vld [tilespmem:$0x19700]  }
0x1c5: {  	v59 =	vld [tilespmem:$0x19780];
	v1 =	vadd.f32 v2, v1;
	v2 =	vmul.f32 v55, v54  }
0x1c6: {  	v60 =	vld [tilespmem:$0x18F00]  }
0x1c7: {  	v61 =	vld [tilespmem:$0x19800];
	v1 =	vadd.f32 v2, v1;
	v2 =	vmul.f32 v57, v56  }
0x1c8: {  	v62 =	vld [tilespmem:$0x18F80]  }
0x1c9: {  	v63 =	vld [tilespmem:$0x19000];
	v1 =	vadd.f32 v2, v1;
	v2 =	vmul.f32 v58, v3  }
0x1ca: {  	v3 =	vld [tilespmem:$0x19880]  }
0x1cb: {  	v1 =	vadd.f32 v2, v1;
	v2 =	vmul.f32 v60, v59;
	_ =	sdelay $0x1  }
0x1cc: {  	v1 =	vadd.f32 v2, v1;
	v2 =	vmul.f32 v62, v61;
	_ =	sdelay $0x1  }
0x1cd: {  	v1 =	vadd.f32 v2, v1;
	v2 =	vmul.f32 v63, v3;
	_ =	sdelay $0x1  }
0x1ce: {  	v1 =	vadd.f32 v2, v1;
	_ =	sdelay $0x1  }
0x1cf: {  	v1 =	vsub.f32 $0.0e+00, v1;
	_ =	sdelay $0x1  }
0x1d0: {  	v1 =	vmul.f32 $1.442695020e+00, v1;
	_ =	sdelay $0x1  }
0x1d1: {  	(erf) = vpow2.f32 v1;
	_ =	sdelay $0x8  }
0x1d2: {  	v1 =	vpop (erf)  }
0x1d3: {  	v1 =	vadd.f32 $1.000000000e+00, v1;
	_ =	sdelay $0x1  }
0x1d4: {  	(erf) = vrcp.f32 v1;
	_ =	sdelay $0x5  }
.Ltmp9:
0x1d5: {  	_ = 	snop;
	(pc) =	sbr.rel .LBB2_12-.Ltmp9, $3  }
0x1d6: {  	_ =	sdelay $0x1  }
0x1d7: {  	s13 =	sand.u32 $0x10, s12;
	v1 =	vpop (erf)  }
0x1d8: {  	[tilespmem:s13+$0x19900] =	vst v1  }
.LBB2_14:
0x1d9: {  	_ =	sfence.sel $0x180000  }
0x1da: {  	[bflag:$0x0] =	sbarrier.arrive $0xFFFF  }
0x1db: {  	_ =	strace $0x90000047  }
0x1dc: {  	s0 =	stileid.u32;
	[bflag:$0x2] =	sbarrier.arrive $0xFFFF  }
0x1dd: {  	p0 =	sne.s32 s0, $0x0;
	s0 =	rddreg [dreg:$0x3]  }
0x1de: {  	s0 =	sadd.s32 @!p0 $0x100000, s0  }
0x1df: {  	[sflag:s0] =	ssyncadd.tile.s32 @!p0 $0x1;
	_ =	shalt  }
.Lfunc_end2:
_tile_overlayer_lowered:
.L_overlay_start_2:
0x1e0: {  	(tag) =	ssettag $0x2  }
0x1e1: {  	s0 =	rddreg [dreg:$0x0];
	s2 =	stileid.u32  }
0x1e2: {  	s1 =	rddreg [dreg:$0x1];
	p0 =	sne.s32 s2, $0x0  }
0x1e3: {  	s3 =	rddreg [dreg:$0x2];
	[bflag:$0x3] =	sbarrier.arrive $0xFFFF;
	s2 =	simm.s32 @!p0 $0x1C05  }
0x1e4: {  	[timem:s3], [sflag:s2] =	dma.local @!p0 [hbm:s0], s1  }
0x1e5: {  	s0 =	simm.s32 @!p0 $0x5  }
0x1e6: {  	_ =	swait.ge @!p0 [sflag:s0], s1  }
0x1e7: {  	s1 =	ssub.s32 @!p0 $0x0, s1;
	[sflag:s0] =	ssyncset.done @!p0 $0x0  }
0x1e8: {  	[sflag:s0] =	ssyncadd.s32 @!p0 s1  }
0x1e9: {  	[bflag:$0x3] =	sbarrier.arrive $0xFFFF  }
0x1ea: {  	_ =	shalt  }

</sc_bundles>
